<compile_context>
chip_gen: v7x
topology: tpu7x:2x2x1
jax: 0.10.2.dev20260603
libtpu: 0.0.44.dev20260713+nightly
codegen_flags: <defaults>
</compile_context>

<pallas_src>
import functools

import jax
import jax.numpy as jnp
from jax import lax
from jax.experimental import pallas as pl
from jax.experimental.pallas import tpu as pltpu
from jax.experimental.pallas import tpu_sc as plsc

D = 2048
L = 24
N = 576
T = 2048
RED = 512
FOCUS = 22
FINAL_FOCUS = 32
FINAL_NONFOCUS = 32
THRESH = 3.0
MIN_ACTIVE = 8
EPS = 1e-6
LN_EPS = 1e-5
NEG = -3.0e38

TEXT_CHUNKS = 8


def _text_body(t_ref, tg_ref, acc_ref):
    i = pl.program_id(0)

    @pl.when(i == 0)
    def _init():
        acc_ref[...] = jnp.zeros_like(acc_ref)

    acc_ref[...] += jnp.sum(t_ref[...], axis=0, keepdims=True)

    @pl.when(i == pl.num_programs(0) - 1)
    def _fin():
        mean = acc_ref[...] / T
        mu = jnp.mean(mean, axis=1, keepdims=True)
        var = jnp.mean((mean - mu) ** 2, axis=1, keepdims=True)
        tg_ref[...] = (mean - mu) / jnp.sqrt(var + LN_EPS)


def _means_body(x_ref, y_ref):
    y_ref[0, 0, :] = jnp.mean(x_ref[0], axis=0)


def _scan_body(y_ref, tg_ref, w1_ref, b1_ref, wc_ref, wi_ref, wf_ref,
               bc_ref, bi_ref, bf_ref, ctx_ref):
    bf16 = jnp.bfloat16
    tgb = tg_ref[...].astype(bf16)
    w1 = w1_ref[...]
    wc = wc_ref[...]
    wi = wi_ref[...]
    wf = wf_ref[...]
    bcv = bc_ref[...]
    biv = bi_ref[...]
    bfv = bf_ref[...]
    b1v = b1_ref[...]

    def step(l, c):
        cn = jax.nn.sigmoid(c)
        yl = y_ref[pl.ds(l, 1), 0, :]
        comb = jnp.concatenate(
            [cn.astype(bf16), yl.astype(bf16), tgb], axis=1)
        h = jnp.dot(comb, w1, preferred_element_type=jnp.float32) + b1v
        s = jnp.maximum(h, 0.0).astype(bf16)
        ct = jnp.tanh(jnp.dot(s, wc, preferred_element_type=jnp.float32) + bcv)
        ig = jax.nn.sigmoid(jnp.dot(s, wi, preferred_element_type=jnp.float32) + biv)
        fg = jax.nn.sigmoid(jnp.dot(s, wf, preferred_element_type=jnp.float32) + bfv)
        c = fg * c + ig * ct
        ctx_ref[pl.ds(l, 1)] = c[:, None, :]
        return c

    lax.fori_loop(0, L, step, jnp.zeros((1, D), jnp.float32))


def _q_body(ctx_ref, wq_ref, g_ref, b_ref, q_ref):
    ctx = ctx_ref[:, 0, :]
    qr = jnp.dot(ctx.astype(jnp.bfloat16), wq_ref[...],
                 preferred_element_type=jnp.float32)
    mu = jnp.mean(qr, axis=1, keepdims=True)
    var = jnp.mean((qr - mu) ** 2, axis=1, keepdims=True)
    qn = (qr - mu) / jnp.sqrt(var + LN_EPS)
    q = qn * g_ref[...] + b_ref[...]
    q_ref[...] = q[:, None, :]


def _big_body(x_ref, wk_ref, q_ref, g_ref, b_ref, sval_ref, sidx_ref):
    x = x_ref[0]
    ql = q_ref[0]
    a = ql * g_ref[...]
    c_add = jnp.sum(b_ref[...] * ql)
    v = jnp.dot(x.astype(jnp.bfloat16), wk_ref[...],
                preferred_element_type=jnp.float32)
    m = jnp.mean(v, axis=1, keepdims=True)
    vc = v - m
    var = jnp.mean(vc * vc, axis=1, keepdims=True)
    dot = jnp.sum(vc * a, axis=1, keepdims=True)
    raw = dot / jnp.sqrt(var + LN_EPS) + c_add
    mu = jnp.mean(raw)
    sd = jnp.sqrt(jnp.mean((raw - mu) ** 2))
    sc = (raw - mu) / (sd + EPS)

    iota_n = lax.broadcasted_iota(jnp.int32, (N, 1), 0)
    iota_k = lax.broadcasted_iota(jnp.int32, (1, FINAL_NONFOCUS), 1)

    def step(j, carry):
        s, vals, idxs = carry
        mx = jnp.max(s)
        idx = jnp.min(jnp.where(s == mx, iota_n, N))
        vals = jnp.where(iota_k == j, mx, vals)
        idxs = jnp.where(iota_k == j, idx, idxs)
        s = jnp.where(iota_n == idx, NEG, s)
        return s, vals, idxs

    _, vals, idxs = lax.fori_loop(
        0, FINAL_NONFOCUS, step,
        (sc,
         jnp.zeros((1, FINAL_NONFOCUS), jnp.float32),
         jnp.zeros((1, FINAL_NONFOCUS), jnp.int32)))
    sval_ref[...] = vals[None]
    sidx_ref[...] = idxs[None]


def _sel_body(sval_ref, sidx_ref, flat_ref, w_ref):
    sv = sval_ref[:, 0, :]
    si = sidx_ref[:, 0, :]
    K = FINAL_NONFOCUS

    ri = lax.broadcasted_iota(jnp.int32, (L, L), 0)
    ci = lax.broadcasted_iota(jnp.int32, (L, L), 1)

    def col2row(v):
        return jnp.sum(jnp.where(ri == ci, v, 0 * v), axis=0, keepdims=True)

    def cumsum_to_col(v_row):
        return jnp.sum(jnp.where(ci <= ri, v_row, 0 * v_row),
                       axis=1, keepdims=True)

    conf = col2row(sv[:, 0:1])
    li = lax.broadcasted_iota(jnp.int32, (1, L), 1)
    nonfocus = li != FOCUS
    active = nonfocus & (conf > THRESH)
    act_i = active.astype(jnp.int32)
    m0 = jnp.sum(act_i)
    rank_a = col2row(cumsum_to_col(act_i)) - 1
    base_a = K // jnp.maximum(m0, 1)
    rem_a = K - base_a * m0
    k_a = jnp.where(active,
                    jnp.minimum(base_a + (rank_a < rem_a).astype(jnp.int32), N),
                    0)
    key_b = jnp.where(nonfocus, -conf, 3.0e38)
    kb_col = jnp.sum(jnp.where(ri == ci, key_b, 0.0 * key_b),
                     axis=1, keepdims=True)
    less = (key_b < kb_col).astype(jnp.int32)
    eq_before = ((key_b == kb_col) & (ci < ri)).astype(jnp.int32)
    rank_b = col2row(jnp.sum(less + eq_before, axis=1, keepdims=True))
    mb = min(MIN_ACTIVE, L - 1)
    base_b = K // mb
    rem_b = K - base_b * mb
    k_b = jnp.where(rank_b < mb,
                    jnp.minimum(base_b + (rank_b < rem_b).astype(jnp.int32), N),
                    0)
    k_per = jnp.where(m0 >= MIN_ACTIVE, k_a, k_b)
    cum = col2row(cumsum_to_col(k_per))
    cumex = cum - k_per

    s_col = lax.broadcasted_iota(jnp.int32, (K, 1), 0)
    lay = jnp.sum((cum <= s_col).astype(jnp.int32), axis=1, keepdims=True)
    li_row = lax.broadcasted_iota(jnp.int32, (1, L), 1)
    oh = (lay == li_row).astype(jnp.float32)
    cumex_s = jnp.sum(oh * cumex.astype(jnp.float32), axis=1,
                      keepdims=True).astype(jnp.int32)
    pos = s_col - cumex_s

    rowvals = jnp.zeros((K, FINAL_NONFOCUS), jnp.float32)
    rowidx = jnp.zeros((K, FINAL_NONFOCUS), jnp.int32)
    for l in range(L):
        rowvals = jnp.where(lay == l, sv[l:l + 1, :], rowvals)
        rowidx = jnp.where(lay == l, si[l:l + 1, :], rowidx)
    pi = lax.broadcasted_iota(jnp.int32, (1, K), 1)
    pmask = pos == pi
    sel_score = jnp.sum(jnp.where(pmask, rowvals, 0.0), axis=1, keepdims=True)
    sel_idx = jnp.sum(jnp.where(pmask, rowidx, 0), axis=1, keepdims=True)
    sel_lay = lay

    rif = lax.broadcasted_iota(jnp.int32, (K, K), 0)
    cif = lax.broadcasted_iota(jnp.int32, (K, K), 1)
    fscore = jnp.sum(jnp.where(rif == cif, sv[FOCUS:FOCUS + 1, :], 0.0),
                     axis=1, keepdims=True)
    fidx = jnp.sum(jnp.where(rif == cif,
                             si[FOCUS:FOCUS + 1, :].astype(jnp.float32), 0.0),
                   axis=1, keepdims=True).astype(jnp.int32)

    all_score = jnp.concatenate([fscore, sel_score], axis=0)
    mxs = jnp.max(all_score)
    e = jnp.exp(all_score - mxs)
    w = e / jnp.sum(e)
    all_flat = jnp.concatenate(
        [FOCUS * N + fidx, sel_lay * N + sel_idx], axis=0)
    flat_ref[...] = all_flat
    w_ref[...] = w


def _wmul_body(rows_ref, w_ref, out_ref):
    out_ref[...] = rows_ref[...] * w_ref[...]


_SC_NC = 2
_SC_NS = 16
_GW = 8


def _sc_gather_body(table_hbm, idx_hbm, out_hbm, idx_v, rows_v, sem):
    wid = lax.axis_index("s") * _SC_NC + lax.axis_index("c")

    @pl.when(wid < _GW)
    def _():
        base = wid * ((FINAL_FOCUS + FINAL_NONFOCUS) // _GW)
        pltpu.sync_copy(idx_hbm.at[pl.ds(base, 8)], idx_v)
        pltpu.async_copy(table_hbm.at[idx_v], rows_v, sem).wait()
        pltpu.sync_copy(rows_v, out_hbm.at[pl.ds(base, 8)])


def _sc_gather(table, idx):
    mesh = plsc.VectorSubcoreMesh(core_axis_name="c", subcore_axis_name="s")
    kfn = functools.partial(
        pl.kernel,
        mesh=mesh,
        out_type=jax.ShapeDtypeStruct((FINAL_FOCUS + FINAL_NONFOCUS, D),
                                      jnp.float32),
        scratch_types=[
            pltpu.VMEM((8,), jnp.int32),
            pltpu.VMEM((8, D), jnp.float32),
            pltpu.SemaphoreType.DMA,
        ],
    )(_sc_gather_body)
    return kfn(table, idx)


def _stages(text_features, layer_feats, W1_w, W1_b, Wc_w, Wc_b, Wi_w, Wi_b,
            Wf_w, Wf_b, bc, bi, bf, Wq, Wk, ln_g, ln_b):
    f32 = jnp.float32
    g2 = ln_g.reshape(1, D)
    b2 = ln_b.reshape(1, D)

    tg = pl.pallas_call(
        _text_body,
        grid=(TEXT_CHUNKS,),
        in_specs=[pl.BlockSpec((T // TEXT_CHUNKS, D), lambda i: (i, 0))],
        out_specs=pl.BlockSpec((1, D), lambda i: (0, 0)),
        out_shape=jax.ShapeDtypeStruct((1, D), f32),
        scratch_shapes=[pltpu.VMEM((1, D), f32)],
    )(text_features)

    y3 = pl.pallas_call(
        _means_body,
        grid=(L,),
        in_specs=[pl.BlockSpec((1, N, D), lambda l: (l, 0, 0))],
        out_specs=pl.BlockSpec((1, 1, D), lambda l: (l, 0, 0)),
        out_shape=jax.ShapeDtypeStruct((L, 1, D), f32),
    )(layer_feats)

    ctx3 = pl.pallas_call(
        _scan_body,
        out_shape=jax.ShapeDtypeStruct((L, 1, D), f32),
    )(y3, tg, W1_w.astype(jnp.bfloat16), W1_b.reshape(1, RED),
      Wc_w.astype(jnp.bfloat16), Wi_w.astype(jnp.bfloat16),
      Wf_w.astype(jnp.bfloat16),
      (Wc_b + bc).reshape(1, D), (Wi_b + bi).reshape(1, D),
      (Wf_b + bf).reshape(1, D))

    q3 = pl.pallas_call(
        _q_body,
        out_shape=jax.ShapeDtypeStruct((L, 1, D), f32),
    )(ctx3, Wq.astype(jnp.bfloat16), g2, b2)

    sval3, sidx3 = pl.pallas_call(
        _big_body,
        grid=(L,),
        in_specs=[
            pl.BlockSpec((1, N, D), lambda l: (l, 0, 0)),
            pl.BlockSpec((D, D), lambda l: (0, 0)),
            pl.BlockSpec((1, 1, D), lambda l: (l, 0, 0)),
            pl.BlockSpec((1, D), lambda l: (0, 0)),
            pl.BlockSpec((1, D), lambda l: (0, 0)),
        ],
        out_specs=[
            pl.BlockSpec((1, 1, FINAL_NONFOCUS), lambda l: (l, 0, 0)),
            pl.BlockSpec((1, 1, FINAL_NONFOCUS), lambda l: (l, 0, 0)),
        ],
        out_shape=[
            jax.ShapeDtypeStruct((L, 1, FINAL_NONFOCUS), f32),
            jax.ShapeDtypeStruct((L, 1, FINAL_NONFOCUS), jnp.int32),
        ],
    )(layer_feats, Wk.astype(jnp.bfloat16), q3, g2, b2)

    flatc, wcol = pl.pallas_call(
        _sel_body,
        out_shape=[
            jax.ShapeDtypeStruct((FINAL_FOCUS + FINAL_NONFOCUS, 1), jnp.int32),
            jax.ShapeDtypeStruct((FINAL_FOCUS + FINAL_NONFOCUS, 1), f32),
        ],
    )(sval3, sidx3)
    return tg, y3, ctx3, q3, sval3, sidx3, flatc, wcol


def kernel(text_features, layer_feats, W1_w, W1_b, Wc_w, Wc_b, Wi_w, Wi_b,
           Wf_w, Wf_b, bc, bi, bf, Wq, Wk, ln_g, ln_b):
    f32 = jnp.float32
    (tg, y3, ctx3, q3, sval3, sidx3, flatc, wcol) = _stages(
        text_features, layer_feats, W1_w, W1_b, Wc_w, Wc_b, Wi_w, Wi_b,
        Wf_w, Wf_b, bc, bi, bf, Wq, Wk, ln_g, ln_b)

    table = layer_feats.reshape(L * N, D)
    rows = _sc_gather(table, flatc.reshape(FINAL_FOCUS + FINAL_NONFOCUS))

    out = pl.pallas_call(
        _wmul_body,
        out_shape=jax.ShapeDtypeStruct((FINAL_FOCUS + FINAL_NONFOCUS, D), f32),
    )(rows, wcol)
    return out

# --- scband reference (transcript-rebuilt; emitter-appended) ---
"""Pipeline reference for scband-text-conditioned-dynamic-layer-attention-82471962018677 (READ-ONLY COPY).

The authoritative reference and input builder live on the scoring server;
editing this copy changes nothing except your own understanding.
"""

import jax, jax.numpy as jnp
import numpy as np

D = 2048
L = 24
N = 576
T = 2048
RED = D // 4
FOCUS = (-2) % L
FINAL_FOCUS = 32
FINAL_NONFOCUS = 32
THRESH = 3.0
MIN_ACTIVE = 8
EPS = 1e-6


def _ln(x, g=None, b=None, eps=1e-5):
    m = x.mean(axis=-1, keepdims=True)
    v = ((x - m) ** 2).mean(axis=-1, keepdims=True)
    y = (x - m) / jnp.sqrt(v + eps)
    if g is not None:
        y = y * g + b
    return y


def setup_inputs(seed: int = 0):
    key = jax.random.key(seed)
    ks = jax.random.split(key, 12)

    def xav(k, shape, gain=0.5):
        a = gain * float(np.sqrt(6.0 / (shape[0] + shape[1])))
        return jax.random.uniform(k, shape, jnp.float32, -a, a)

    inp = {}
    inp["text_features"] = jax.random.normal(ks[0], (T, D), jnp.float32)
    inp["layer_feats"] = jax.random.normal(ks[1], (L, N, D), jnp.float32)
    inp["W1_w"] = xav(ks[2], (3 * D, RED))
    inp["W1_b"] = jnp.zeros((RED,), jnp.float32)
    inp["Wc_w"] = xav(ks[3], (RED, D))
    inp["Wc_b"] = jnp.zeros((D,), jnp.float32)
    inp["Wi_w"] = xav(ks[4], (RED, D))
    inp["Wi_b"] = jnp.zeros((D,), jnp.float32)
    inp["Wf_w"] = xav(ks[5], (RED, D))
    inp["Wf_b"] = jnp.zeros((D,), jnp.float32)
    inp["bc"] = jnp.zeros((D,), jnp.float32)
    inp["bi"] = jnp.zeros((D,), jnp.float32)
    inp["bf"] = jnp.zeros((D,), jnp.float32)
    inp["Wq"] = 0.02 * jax.random.normal(ks[6], (D, D), jnp.float32)
    inp["Wk"] = 0.02 * jax.random.normal(ks[7], (D, D), jnp.float32)
    inp["ln_g"] = jnp.ones((D,), jnp.float32)
    inp["ln_b"] = jnp.zeros((D,), jnp.float32)
    return inp


def _scores(text_features, layer_feats, W1_w, W1_b, Wc_w, Wc_b, Wi_w, Wi_b, Wf_w, Wf_b, bc, bi, bf, Wq, Wk, ln_g, ln_b):
    text_global = _ln(text_features.mean(axis=0))
    y = layer_feats.mean(axis=1)

    def step(c_prev, y_l):
        c_norm = jax.nn.sigmoid(c_prev)
        comb = jnp.concatenate([c_norm, y_l, text_global])
        s = jax.nn.relu(comb @ W1_w + W1_b)
        ct = jnp.tanh(s @ Wc_w + Wc_b + bc)
        i = jax.nn.sigmoid(s @ Wi_w + Wi_b + bi)
        f = jax.nn.sigmoid(s @ Wf_w + Wf_b + bf)
        c = f * c_prev + i * ct
        return c, c

    _, contexts = jax.lax.scan(step, jnp.zeros((D,), jnp.float32), y)
    q = _ln(contexts @ Wq, ln_g, ln_b)
    k = _ln(layer_feats @ Wk, ln_g, ln_b)
    raw = (k * q[:, None, :]).sum(axis=-1)
    mean = raw.mean(axis=1, keepdims=True)
    std = raw.std(axis=1, keepdims=True) + EPS
    return (raw - mean) / std


def _select(scores):
    Ln, Nn = scores.shape
    conf = scores.max(axis=1)
    focus_take = min(FINAL_FOCUS, Nn)
    li = jnp.arange(Ln)
    nonfocus = li != FOCUS
    active_A = nonfocus & (conf > THRESH)
    M0 = active_A.sum()
    rankA = jnp.cumsum(active_A) - 1
    baseA = FINAL_NONFOCUS // jnp.maximum(M0, 1)
    remA = FINAL_NONFOCUS - baseA * M0
    k_A = jnp.where(active_A, jnp.minimum(baseA + (rankA < remA).astype(baseA.dtype), Nn), 0)
    keyB = jnp.where(nonfocus, -conf, jnp.inf)
    orderB = jnp.argsort(keyB, stable=True)
    rankB = jnp.zeros((Ln,), jnp.int32).at[orderB].set(jnp.arange(Ln, dtype=jnp.int32))
    MB = min(MIN_ACTIVE, Ln - 1)
    baseB = FINAL_NONFOCUS // MB
    remB = FINAL_NONFOCUS - baseB * MB
    k_B = jnp.where(rankB < MB, jnp.minimum(baseB + (rankB < remB).astype(jnp.int32), Nn), 0)
    k_per = jnp.where(M0 >= MIN_ACTIVE, k_A, k_B)
    sorted_idx = jnp.argsort(-scores, axis=1, stable=True)
    Kcap = min(FINAL_NONFOCUS, Nn)
    lay = jnp.repeat(jnp.arange(Ln), Kcap)
    pos = jnp.tile(jnp.arange(Kcap), Ln)
    take = pos < k_per[lay]
    slot = jnp.cumsum(take) - 1
    dest = jnp.where(take, slot, FINAL_NONFOCUS)
    sel_layer = jnp.zeros((FINAL_NONFOCUS,), jnp.int32).at[dest].set(lay.astype(jnp.int32), mode="drop")
    sel_idx = jnp.zeros((FINAL_NONFOCUS,), jnp.int32).at[dest].set(sorted_idx[lay, pos].astype(jnp.int32), mode="drop")
    focus_idx = sorted_idx[FOCUS, :focus_take].astype(jnp.int32)
    all_layer = jnp.concatenate([jnp.full((focus_take,), FOCUS, jnp.int32), sel_layer], axis=0)
    all_idx = jnp.concatenate([focus_idx, sel_idx], axis=0)
    return all_layer, all_idx


def reference(text_features, layer_feats, W1_w, W1_b, Wc_w, Wc_b, Wi_w, Wi_b, Wf_w, Wf_b, bc, bi, bf, Wq, Wk, ln_g, ln_b):
    scores = _scores(text_features, layer_feats, W1_w, W1_b, Wc_w, Wc_b, Wi_w, Wi_b, Wf_w, Wf_b, bc, bi, bf, Wq, Wk, ln_g, ln_b)
    lay_sel, idx_sel = _select(scores)
    tokens = layer_feats[lay_sel, idx_sel]
    w = jax.nn.softmax(scores[lay_sel, idx_sel])
    return tokens * w[:, None]

if __name__ == "__main__":
    import jax
    _d = setup_inputs()
    print(jax.jit(kernel)(*tuple(_d.values())))

</pallas_src>

<mosaic_0001>
#map = affine_map<(d0, d1) -> (0, 0)>
#map1 = affine_map<(d0, d1) -> (0)>
module attributes {stable_mosaic.version = 14 : i64} {
  func.func @_sc_gather_body(%arg0: i32, %arg1: i32, %arg2: memref<13824x2048xf32, #tpu.memory_space<hbm>>, %arg3: memref<64xi32, #tpu.memory_space<hbm>>, %arg4: memref<64x2048xf32, #tpu.memory_space<hbm>>, %arg5: memref<8xi32, #tpu.memory_space<vmem>>, %arg6: memref<8x2048xf32, #tpu.memory_space<vmem>>, %arg7: memref<!tpu.dma_semaphore, #tpu.memory_space<semaphore_mem>>) attributes {dimension_semantics = [#tpu.dimension_semantics<core_parallel>, #tpu.dimension_semantics<subcore_parallel>], iteration_bounds = array<i64: 2, 16>, scalar_prefetch = 0 : i64, scratch_operands = 3 : i64, tpu.core_type = #tpu.core_type<sc_vector_subcore>, window_params = [{transform_indices = #map}, {transform_indices = #map1}, {transform_indices = #map}]} {
    %mul3A = arith.constant 2 : i32
    %mul3A_0 = arith.muli %arg1, %mul3A : i32
    %add3A = arith.addi %mul3A_0, %arg0 : i32
    %lt3A = arith.constant 8 : i32
    %lt3A_1 = arith.cmpi slt, %add3A, %lt3A : i32
    %convert_element_type3A = arith.extui %lt3A_1 : i1 to i32
    %cond3A = arith.constant 0 : i32
    %cond3A_2 = arith.cmpi ne, %convert_element_type3A, %cond3A : i32
    scf.if %cond3A_2 {
      %mul3A_3 = arith.constant 8 : i32
      %mul3A_4 = arith.muli %add3A, %mul3A_3 : i32
      "tpu.region"() ({
        %run_scoped3A = tpu.sem_alloc : memref<!tpu.dma_semaphore, #tpu.memory_space<semaphore_mem>>
        %dma_start3A_9 = tpu.memref_slice %arg3[%mul3A_4] : memref<64xi32, #tpu.memory_space<hbm>> -> memref<8xi32, #tpu.memory_space<hbm>>
        %dma_start3A_10 = tpu.memref_slice %arg3[%mul3A_4] : memref<64xi32, #tpu.memory_space<hbm>> -> memref<8xi32, #tpu.memory_space<hbm>>
        tpu.enqueue_dma source(%dma_start3A_10 : memref<8xi32, #tpu.memory_space<hbm>>) target(%arg5 : memref<8xi32, #tpu.memory_space<vmem>>) target_semaphore(%run_scoped3A : memref<!tpu.dma_semaphore, #tpu.memory_space<semaphore_mem>>)
        %dma_wait3A_11 = tpu.memref_slice %arg3[%mul3A_4] : memref<64xi32, #tpu.memory_space<hbm>> -> memref<8xi32, #tpu.memory_space<hbm>>
        %dma_wait3A_12 = tpu.memref_slice %arg3[%mul3A_4] : memref<64xi32, #tpu.memory_space<hbm>> -> memref<8xi32, #tpu.memory_space<hbm>>
        tpu.wait_dma2 semaphore(%run_scoped3A : memref<!tpu.dma_semaphore, #tpu.memory_space<semaphore_mem>>) src(%dma_wait3A_12 : memref<8xi32, #tpu.memory_space<hbm>>) dst(%arg5 : memref<8xi32, #tpu.memory_space<vmem>>)
        tpu.yield
      }) : () -> ()
      %dma_start3A = arith.constant 0 : i32
      %dma_start3A_5 = arith.constant 0 : i32
      %dma_start3A_6 = tpu.memref_slice %arg2[%dma_start3A, %dma_start3A_5] : memref<13824x2048xf32, #tpu.memory_space<hbm>> -> memref<13824x2048xf32, #tpu.memory_space<hbm>>
      tpu.enqueue_indirect_dma source(%dma_start3A_6 : memref<13824x2048xf32, #tpu.memory_space<hbm>>) target(%arg6 : memref<8x2048xf32, #tpu.memory_space<vmem>>) offsets(%arg5 : memref<8xi32, #tpu.memory_space<vmem>>) semaphore(%arg7 : memref<!tpu.dma_semaphore, #tpu.memory_space<semaphore_mem>>)
      %dma_wait3A = arith.constant 0 : i32
      %dma_wait3A_7 = arith.constant 0 : i32
      %dma_wait3A_8 = tpu.memref_slice %arg2[%dma_wait3A, %dma_wait3A_7] : memref<13824x2048xf32, #tpu.memory_space<hbm>> -> memref<13824x2048xf32, #tpu.memory_space<hbm>>
      tpu.wait_indirect_dma semaphore(%arg7 : memref<!tpu.dma_semaphore, #tpu.memory_space<semaphore_mem>>) src(%dma_wait3A_8 : memref<13824x2048xf32, #tpu.memory_space<hbm>>) dst(%arg6 : memref<8x2048xf32, #tpu.memory_space<vmem>>)
      "tpu.region"() ({
        %run_scoped3A = tpu.sem_alloc : memref<!tpu.dma_semaphore, #tpu.memory_space<semaphore_mem>>
        %dma_start3A_9 = arith.constant 0 : i32
        %dma_start3A_10 = tpu.memref_slice %arg4[%mul3A_4, %dma_start3A_9] : memref<64x2048xf32, #tpu.memory_space<hbm>> -> memref<8x2048xf32, #tpu.memory_space<hbm>>
        %dma_start3A_11 = arith.constant 0 : i32
        %dma_start3A_12 = tpu.memref_slice %arg4[%mul3A_4, %dma_start3A_11] : memref<64x2048xf32, #tpu.memory_space<hbm>> -> memref<8x2048xf32, #tpu.memory_space<hbm>>
        tpu.enqueue_dma source(%arg6 : memref<8x2048xf32, #tpu.memory_space<vmem>>) target(%dma_start3A_12 : memref<8x2048xf32, #tpu.memory_space<hbm>>) target_semaphore(%run_scoped3A : memref<!tpu.dma_semaphore, #tpu.memory_space<semaphore_mem>>)
        %dma_wait3A_13 = arith.constant 0 : i32
        %dma_wait3A_14 = tpu.memref_slice %arg4[%mul3A_4, %dma_wait3A_13] : memref<64x2048xf32, #tpu.memory_space<hbm>> -> memref<8x2048xf32, #tpu.memory_space<hbm>>
        %dma_wait3A_15 = arith.constant 0 : i32
        %dma_wait3A_16 = tpu.memref_slice %arg4[%mul3A_4, %dma_wait3A_15] : memref<64x2048xf32, #tpu.memory_space<hbm>> -> memref<8x2048xf32, #tpu.memory_space<hbm>>
        tpu.wait_dma2 semaphore(%run_scoped3A : memref<!tpu.dma_semaphore, #tpu.memory_space<semaphore_mem>>) src(%arg6 : memref<8x2048xf32, #tpu.memory_space<vmem>>) dst(%dma_wait3A_16 : memref<8x2048xf32, #tpu.memory_space<hbm>>)
        tpu.yield
      }) : () -> ()
    } else {
    }
    return
  }
}

module attributes {stable_mosaic.version = 14 : i64} {
  func.func @_means_body(%arg0: i32, %arg1: memref<1x576x2048xf32, #tpu.memory_space<vmem>>, %arg2: memref<1x1x2048xf32, #tpu.memory_space<vmem>>) attributes {dimension_semantics = [#tpu.dimension_semantics<arbitrary>], iteration_bounds = array<i64: 24>, scalar_prefetch = 0 : i64, scratch_operands = 0 : i64, tpu.core_type = #tpu.core_type<tc>, window_params = [{transform_indices = @transform_0, window_bounds = array<i64: 1, 576, 2048>}, {transform_indices = @transform_1, window_bounds = array<i64: 1, 1, 2048>}]} {
    %get3A = arith.constant 0 : index
    %get3A_0 = arith.constant 0 : index
    %get3A_1 = arith.constant 0 : index
    %get3A_2 = vector.load %arg1[%get3A, %get3A_0, %get3A_1] : memref<1x576x2048xf32, #tpu.memory_space<vmem>>, vector<1x576x2048xf32>
    %get3A_3 = vector.shape_cast %get3A_2 : vector<1x576x2048xf32> to vector<576x2048xf32>
    %reduce_sum3A = arith.constant dense<0.000000e+00> : vector<2048xf32>
    %reduce_sum3A_4 = vector.multi_reduction <add>, %get3A_3, %reduce_sum3A [0] : vector<576x2048xf32> to vector<2048xf32>
    %div3A = arith.constant 5.760000e+02 : f32
    %div3A_5 = vector.broadcast %div3A : f32 to vector<2048xf32>
    %div3A_6 = arith.divf %reduce_sum3A_4, %div3A_5 : vector<2048xf32>
    %swap3A = arith.constant 0 : index
    %swap3A_7 = arith.constant 0 : index
    %swap3A_8 = arith.constant 0 : index
    %swap3A_9 = vector.load %arg2[%swap3A, %swap3A_7, %swap3A_8] : memref<1x1x2048xf32, #tpu.memory_space<vmem>>, vector<1x1x2048xf32>
    %swap3A_10 = vector.shape_cast %swap3A_9 : vector<1x1x2048xf32> to vector<2048xf32>
    %swap3A_11 = vector.shape_cast %div3A_6 : vector<2048xf32> to vector<1x1x2048xf32>
    tpu.vector_store %arg2[%swap3A, %swap3A_7, %swap3A_8], %swap3A_11 {strides = array<i32>} : memref<1x1x2048xf32, #tpu.memory_space<vmem>>, vector<1x1x2048xf32>,
    return
  }
  func.func @transform_0(%arg0: i32) -> (i32, i32, i32) {
    %c0_i32 = arith.constant 0 : i32
    %c0_i32_0 = arith.constant 0 : i32
    %c0_i32_1 = arith.constant 0 : i32
    return %arg0, %c0_i32, %c0_i32_0 : i32, i32, i32
  }
  func.func @transform_1(%arg0: i32) -> (i32, i32, i32) {
    %c0_i32 = arith.constant 0 : i32
    %c0_i32_0 = arith.constant 0 : i32
    %c0_i32_1 = arith.constant 0 : i32
    return %arg0, %c0_i32, %c0_i32_0 : i32, i32, i32
  }
}

module attributes {stable_mosaic.version = 14 : i64} {
  func.func @_text_body(%arg0: i32, %arg1: memref<256x2048xf32, #tpu.memory_space<vmem>>, %arg2: memref<1x2048xf32, #tpu.memory_space<vmem>>, %arg3: memref<1x2048xf32, #tpu.memory_space<vmem>>) attributes {dimension_semantics = [#tpu.dimension_semantics<arbitrary>], iteration_bounds = array<i64: 8>, scalar_prefetch = 0 : i64, scratch_operands = 1 : i64, tpu.core_type = #tpu.core_type<tc>, window_params = [{transform_indices = @transform_0, window_bounds = array<i64: 256, 2048>}, {pipeline_mode = #tpu.pipeline_mode<synchronous>, transform_indices = @transform_1, window_bounds = array<i64: 1, 2048>}]} {
    %eq3A = arith.constant 0 : i32
    %eq3A_0 = arith.cmpi eq, %arg0, %eq3A : i32
    %convert_element_type3A = arith.extui %eq3A_0 : i1 to i32
    %cond3A = arith.constant 0 : i32
    %cond3A_1 = arith.cmpi ne, %convert_element_type3A, %cond3A : i32
    scf.if %cond3A_1 {
      %broadcast_in_dim3A_15 = arith.constant 0.000000e+00 : f32
      %broadcast_in_dim3A_16 = vector.broadcast %broadcast_in_dim3A_15 : f32 to vector<1x2048xf32>
      %swap3A_17 = arith.constant 0 : index
      %swap3A_18 = arith.constant 0 : index
      %swap3A_19 = vector.load %arg3[%swap3A_17, %swap3A_18] : memref<1x2048xf32, #tpu.memory_space<vmem>>, vector<1x2048xf32>
      tpu.vector_store %arg3[%swap3A_17, %swap3A_18], %broadcast_in_dim3A_16 {strides = array<i32>} : memref<1x2048xf32, #tpu.memory_space<vmem>>, vector<1x2048xf32>,
    } else {
    }
    %get3A = arith.constant 0 : index
    %get3A_2 = arith.constant 0 : index
    %get3A_3 = vector.load %arg3[%get3A, %get3A_2] : memref<1x2048xf32, #tpu.memory_space<vmem>>, vector<1x2048xf32>
    %get3A_4 = arith.constant 0 : index
    %get3A_5 = arith.constant 0 : index
    %get3A_6 = vector.load %arg1[%get3A_4, %get3A_5] : memref<256x2048xf32, #tpu.memory_space<vmem>>, vector<256x2048xf32>
    %reduce_sum3A = arith.constant dense<0.000000e+00> : vector<2048xf32>
    %reduce_sum3A_7 = vector.multi_reduction <add>, %get3A_6, %reduce_sum3A [0] : vector<256x2048xf32> to vector<2048xf32>
    %broadcast_in_dim3A = vector.shape_cast %reduce_sum3A_7 : vector<2048xf32> to vector<1x2048xf32>
    %add3A = arith.addf %get3A_3, %broadcast_in_dim3A : vector<1x2048xf32>
    %swap3A = arith.constant 0 : index
    %swap3A_8 = arith.constant 0 : index
    %swap3A_9 = vector.load %arg3[%swap3A, %swap3A_8] : memref<1x2048xf32, #tpu.memory_space<vmem>>, vector<1x2048xf32>
    tpu.vector_store %arg3[%swap3A, %swap3A_8], %add3A {strides = array<i32>} : memref<1x2048xf32, #tpu.memory_space<vmem>>, vector<1x2048xf32>,
    %eq3A_10 = arith.constant 7 : i32
    %eq3A_11 = arith.cmpi eq, %arg0, %eq3A_10 : i32
    %convert_element_type3A_12 = arith.extui %eq3A_11 : i1 to i32
    %cond3A_13 = arith.constant 0 : i32
    %cond3A_14 = arith.cmpi ne, %convert_element_type3A_12, %cond3A_13 : i32
    scf.if %cond3A_14 {
      %get3A_15 = arith.constant 0 : index
      %get3A_16 = arith.constant 0 : index
      %get3A_17 = vector.load %arg3[%get3A_15, %get3A_16] : memref<1x2048xf32, #tpu.memory_space<vmem>>, vector<1x2048xf32>
      %div3A = arith.constant 2.048000e+03 : f32
      %div3A_18 = vector.broadcast %div3A : f32 to vector<1x2048xf32>
      %div3A_19 = arith.divf %get3A_17, %div3A_18 : vector<1x2048xf32>
      %reduce_sum3A_20 = arith.constant dense<0.000000e+00> : vector<1xf32>
      %reduce_sum3A_21 = vector.multi_reduction <add>, %div3A_19, %reduce_sum3A_20 [1] : vector<1x2048xf32> to vector<1xf32>
      %broadcast_in_dim3A_22 = vector.shape_cast %reduce_sum3A_21 : vector<1xf32> to vector<1x1xf32>
      %div3A_23 = arith.constant 2.048000e+03 : f32
      %div3A_24 = vector.broadcast %div3A_23 : f32 to vector<1x1xf32>
      %div3A_25 = arith.divf %broadcast_in_dim3A_22, %div3A_24 : vector<1x1xf32>
      %sub3A = vector.broadcast %div3A_25 : vector<1x1xf32> to vector<1x2048xf32>
      %sub3A_26 = arith.subf %div3A_19, %sub3A : vector<1x2048xf32>
      %integer_pow3A = arith.mulf %sub3A_26, %sub3A_26 : vector<1x2048xf32>
      %reduce_sum3A_27 = arith.constant dense<0.000000e+00> : vector<1xf32>
      %reduce_sum3A_28 = vector.multi_reduction <add>, %integer_pow3A, %reduce_sum3A_27 [1] : vector<1x2048xf32> to vector<1xf32>
      %broadcast_in_dim3A_29 = vector.shape_cast %reduce_sum3A_28 : vector<1xf32> to vector<1x1xf32>
      %div3A_30 = arith.constant 2.048000e+03 : f32
      %div3A_31 = vector.broadcast %div3A_30 : f32 to vector<1x1xf32>
      %div3A_32 = arith.divf %broadcast_in_dim3A_29, %div3A_31 : vector<1x1xf32>
      %sub3A_33 = vector.broadcast %div3A_25 : vector<1x1xf32> to vector<1x2048xf32>
      %sub3A_34 = arith.subf %div3A_19, %sub3A_33 : vector<1x2048xf32>
      %add3A_35 = arith.constant 9.99999974E-6 : f32
      %add3A_36 = vector.broadcast %add3A_35 : f32 to vector<1x1xf32>
      %add3A_37 = arith.addf %div3A_32, %add3A_36 : vector<1x1xf32>
      %sqrt3A = math.sqrt %add3A_37 : vector<1x1xf32>
      %div3A_38 = vector.broadcast %sqrt3A : vector<1x1xf32> to vector<1x2048xf32>
      %div3A_39 = arith.divf %sub3A_34, %div3A_38 : vector<1x2048xf32>
      %swap3A_40 = arith.constant 0 : index
      %swap3A_41 = arith.constant 0 : index
      %swap3A_42 = vector.load %arg2[%swap3A_40, %swap3A_41] : memref<1x2048xf32, #tpu.memory_space<vmem>>, vector<1x2048xf32>
      tpu.vector_store %arg2[%swap3A_40, %swap3A_41], %div3A_39 {strides = array<i32>} : memref<1x2048xf32, #tpu.memory_space<vmem>>, vector<1x2048xf32>,
    } else {
    }
    return
  }
  func.func @transform_0(%arg0: i32) -> (i32, i32) {
    %c0_i32 = arith.constant 0 : i32
    %c0_i32_0 = arith.constant 0 : i32
    return %arg0, %c0_i32 : i32, i32
  }
  func.func @transform_1(%arg0: i32) -> (i32, i32) {
    %c0_i32 = arith.constant 0 : i32
    %c0_i32_0 = arith.constant 0 : i32
    %c0_i32_1 = arith.constant 0 : i32
    return %c0_i32, %c0_i32_0 : i32, i32
  }
}

module attributes {stable_mosaic.version = 14 : i64} {
  func.func @_scan_body(%arg0: memref<24x1x2048xf32, #tpu.memory_space<vmem>>, %arg1: memref<1x2048xf32, #tpu.memory_space<vmem>>, %arg2: memref<6144x512xbf16, #tpu.memory_space<vmem>>, %arg3: memref<1x512xf32, #tpu.memory_space<vmem>>, %arg4: memref<512x2048xbf16, #tpu.memory_space<vmem>>, %arg5: memref<512x2048xbf16, #tpu.memory_space<vmem>>, %arg6: memref<512x2048xbf16, #tpu.memory_space<vmem>>, %arg7: memref<1x2048xf32, #tpu.memory_space<vmem>>, %arg8: memref<1x2048xf32, #tpu.memory_space<vmem>>, %arg9: memref<1x2048xf32, #tpu.memory_space<vmem>>, %arg10: memref<24x1x2048xf32, #tpu.memory_space<vmem>>) attributes {dimension_semantics = [], scalar_prefetch = 0 : i64, scratch_operands = 0 : i64, tpu.core_type = #tpu.core_type<tc>} {
    %get3A = arith.constant 0 : index
    %get3A_0 = arith.constant 0 : index
    %get3A_1 = vector.load %arg1[%get3A, %get3A_0] : memref<1x2048xf32, #tpu.memory_space<vmem>>, vector<1x2048xf32>
    %convert_element_type3A = arith.truncf %get3A_1 : vector<1x2048xf32> to vector<1x2048xbf16>
    %get3A_2 = arith.constant 0 : index
    %get3A_3 = arith.constant 0 : index
    %get3A_4 = vector.load %arg2[%get3A_2, %get3A_3] : memref<6144x512xbf16, #tpu.memory_space<vmem>>, vector<6144x512xbf16>
    %get3A_5 = arith.constant 0 : index
    %get3A_6 = arith.constant 0 : index
    %get3A_7 = vector.load %arg4[%get3A_5, %get3A_6] : memref<512x2048xbf16, #tpu.memory_space<vmem>>, vector<512x2048xbf16>
    %get3A_8 = arith.constant 0 : index
    %get3A_9 = arith.constant 0 : index
    %get3A_10 = vector.load %arg5[%get3A_8, %get3A_9] : memref<512x2048xbf16, #tpu.memory_space<vmem>>, vector<512x2048xbf16>
    %get3A_11 = arith.constant 0 : index
    %get3A_12 = arith.constant 0 : index
    %get3A_13 = vector.load %arg6[%get3A_11, %get3A_12] : memref<512x2048xbf16, #tpu.memory_space<vmem>>, vector<512x2048xbf16>
    %get3A_14 = arith.constant 0 : index
    %get3A_15 = arith.constant 0 : index
    %get3A_16 = vector.load %arg7[%get3A_14, %get3A_15] : memref<1x2048xf32, #tpu.memory_space<vmem>>, vector<1x2048xf32>
    %get3A_17 = arith.constant 0 : index
    %get3A_18 = arith.constant 0 : index
    %get3A_19 = vector.load %arg8[%get3A_17, %get3A_18] : memref<1x2048xf32, #tpu.memory_space<vmem>>, vector<1x2048xf32>
    %get3A_20 = arith.constant 0 : index
    %get3A_21 = arith.constant 0 : index
    %get3A_22 = vector.load %arg9[%get3A_20, %get3A_21] : memref<1x2048xf32, #tpu.memory_space<vmem>>, vector<1x2048xf32>
    %get3A_23 = arith.constant 0 : index
    %get3A_24 = arith.constant 0 : index
    %get3A_25 = vector.load %arg3[%get3A_23, %get3A_24] : memref<1x512xf32, #tpu.memory_space<vmem>>, vector<1x512xf32>
    %broadcast_in_dim3A = arith.constant 0.000000e+00 : f32
    %broadcast_in_dim3A_26 = vector.broadcast %broadcast_in_dim3A : f32 to vector<1x2048xf32>
    %scan3A = arith.constant 0 : i32
    %scan3A_27 = arith.constant 24 : i32
    %scan3A_28 = arith.addi %scan3A, %scan3A_27 : i32
    %scan3A_29 = arith.constant 1 : i32
    %scan3A_30 = scf.for %scan3A_32 = %scan3A to %scan3A_28 step %scan3A_29 iter_args(%scan3A_33 = %broadcast_in_dim3A_26) -> (vector<1x2048xf32>)  : i32 {
      %logistic3A = arith.negf %scan3A_33 : vector<1x2048xf32>
      %logistic3A_34 = math.exp %logistic3A : vector<1x2048xf32>
      %logistic3A_35 = arith.constant 1.000000e+00 : f32
      %logistic3A_36 = vector.broadcast %logistic3A_35 : f32 to vector<1x2048xf32>
      %logistic3A_37 = arith.addf %logistic3A_36, %logistic3A_34 : vector<1x2048xf32>
      %logistic3A_38 = arith.divf %logistic3A_36, %logistic3A_37 : vector<1x2048xf32>
      %get3A_39 = arith.index_cast %scan3A_32 : i32 to index
      %get3A_40 = arith.constant 0 : index
      %get3A_41 = arith.constant 0 : index
      %get3A_42 = vector.load %arg0[%get3A_39, %get3A_40, %get3A_41] : memref<24x1x2048xf32, #tpu.memory_space<vmem>>, vector<1x1x2048xf32>
      %get3A_43 = vector.shape_cast %get3A_42 : vector<1x1x2048xf32> to vector<1x2048xf32>
      %convert_element_type3A_44 = arith.truncf %logistic3A_38 : vector<1x2048xf32> to vector<1x2048xbf16>
      %convert_element_type3A_45 = arith.truncf %get3A_43 : vector<1x2048xf32> to vector<1x2048xbf16>
      %concatenate3A = tpu.concatenate %convert_element_type3A_44, %convert_element_type3A_45, %convert_element_type3A in 1 : vector<1x2048xbf16>, vector<1x2048xbf16>, vector<1x2048xbf16> -> vector<1x6144xbf16>
      %dot_general3A = arith.constant dense<0.000000e+00> : vector<1x512xf32>
      %dot_general3A_46 = tpu.matmul %concatenate3A, %get3A_4, %dot_general3A {dimension_numbers = #tpu.dot_dimension_numbers<[1], [0], [0], [1], [0, 0, 1, 1], [], []>, transpose_lhs_hint = false} : vector<1x6144xbf16>, vector<6144x512xbf16>, vector<1x512xf32> -> vector<1x512xf32>
      %add3A = arith.addf %dot_general3A_46, %get3A_25 : vector<1x512xf32>
      %max3A = arith.constant 0.000000e+00 : f32
      %max3A_47 = vector.broadcast %max3A : f32 to vector<1x512xf32>
      %max3A_48 = arith.maximumf %add3A, %max3A_47 : vector<1x512xf32>
      %convert_element_type3A_49 = arith.truncf %max3A_48 : vector<1x512xf32> to vector<1x512xbf16>
      %dot_general3A_50 = arith.constant dense<0.000000e+00> : vector<1x2048xf32>
      %dot_general3A_51 = tpu.matmul %convert_element_type3A_49, %get3A_7, %dot_general3A_50 {dimension_numbers = #tpu.dot_dimension_numbers<[1], [0], [0], [1], [0, 0, 1, 1], [], []>, transpose_lhs_hint = false} : vector<1x512xbf16>, vector<512x2048xbf16>, vector<1x2048xf32> -> vector<1x2048xf32>
      %add3A_52 = arith.addf %dot_general3A_51, %get3A_16 : vector<1x2048xf32>
      %tanh3A = math.tanh %add3A_52 : vector<1x2048xf32>
      %dot_general3A_53 = arith.constant dense<0.000000e+00> : vector<1x2048xf32>
      %dot_general3A_54 = tpu.matmul %convert_element_type3A_49, %get3A_10, %dot_general3A_53 {dimension_numbers = #tpu.dot_dimension_numbers<[1], [0], [0], [1], [0, 0, 1, 1], [], []>, transpose_lhs_hint = false} : vector<1x512xbf16>, vector<512x2048xbf16>, vector<1x2048xf32> -> vector<1x2048xf32>
      %add3A_55 = arith.addf %dot_general3A_54, %get3A_19 : vector<1x2048xf32>
      %logistic3A_56 = arith.negf %add3A_55 : vector<1x2048xf32>
      %logistic3A_57 = math.exp %logistic3A_56 : vector<1x2048xf32>
      %logistic3A_58 = arith.constant 1.000000e+00 : f32
      %logistic3A_59 = vector.broadcast %logistic3A_58 : f32 to vector<1x2048xf32>
      %logistic3A_60 = arith.addf %logistic3A_59, %logistic3A_57 : vector<1x2048xf32>
      %logistic3A_61 = arith.divf %logistic3A_59, %logistic3A_60 : vector<1x2048xf32>
      %dot_general3A_62 = arith.constant dense<0.000000e+00> : vector<1x2048xf32>
      %dot_general3A_63 = tpu.matmul %convert_element_type3A_49, %get3A_13, %dot_general3A_62 {dimension_numbers = #tpu.dot_dimension_numbers<[1], [0], [0], [1], [0, 0, 1, 1], [], []>, transpose_lhs_hint = false} : vector<1x512xbf16>, vector<512x2048xbf16>, vector<1x2048xf32> -> vector<1x2048xf32>
      %add3A_64 = arith.addf %dot_general3A_63, %get3A_22 : vector<1x2048xf32>
      %logistic3A_65 = arith.negf %add3A_64 : vector<1x2048xf32>
      %logistic3A_66 = math.exp %logistic3A_65 : vector<1x2048xf32>
      %logistic3A_67 = arith.constant 1.000000e+00 : f32
      %logistic3A_68 = vector.broadcast %logistic3A_67 : f32 to vector<1x2048xf32>
      %logistic3A_69 = arith.addf %logistic3A_68, %logistic3A_66 : vector<1x2048xf32>
      %logistic3A_70 = arith.divf %logistic3A_68, %logistic3A_69 : vector<1x2048xf32>
      %mul3A = arith.mulf %logistic3A_70, %scan3A_33 : vector<1x2048xf32>
      %mul3A_71 = arith.mulf %logistic3A_61, %tanh3A : vector<1x2048xf32>
      %add3A_72 = arith.addf %mul3A, %mul3A_71 : vector<1x2048xf32>
      %broadcast_in_dim3A_73 = vector.shape_cast %add3A_72 : vector<1x2048xf32> to vector<1x1x2048xf32>
      %swap3A = arith.index_cast %scan3A_32 : i32 to index
      %swap3A_74 = arith.constant 0 : index
      %swap3A_75 = arith.constant 0 : index
      %swap3A_76 = vector.load %arg10[%swap3A, %swap3A_74, %swap3A_75] : memref<24x1x2048xf32, #tpu.memory_space<vmem>>, vector<1x1x2048xf32>
      tpu.vector_store %arg10[%swap3A, %swap3A_74, %swap3A_75], %broadcast_in_dim3A_73 {strides = array<i32>} : memref<24x1x2048xf32, #tpu.memory_space<vmem>>, vector<1x1x2048xf32>,
      scf.yield %add3A_72 : vector<1x2048xf32>
    }
    %scan3A_31 = arith.constant 24 : i32
    return
  }
}

module attributes {stable_mosaic.version = 14 : i64} {
  func.func @_q_body(%arg0: memref<24x1x2048xf32, #tpu.memory_space<vmem>>, %arg1: memref<2048x2048xbf16, #tpu.memory_space<vmem>>, %arg2: memref<1x2048xf32, #tpu.memory_space<vmem>>, %arg3: memref<1x2048xf32, #tpu.memory_space<vmem>>, %arg4: memref<24x1x2048xf32, #tpu.memory_space<vmem>>) attributes {dimension_semantics = [], scalar_prefetch = 0 : i64, scratch_operands = 0 : i64, tpu.core_type = #tpu.core_type<tc>} {
    %get3A = arith.constant 0 : index
    %get3A_0 = arith.constant 0 : index
    %get3A_1 = arith.constant 0 : index
    %get3A_2 = vector.load %arg0[%get3A, %get3A_0, %get3A_1] : memref<24x1x2048xf32, #tpu.memory_space<vmem>>, vector<24x1x2048xf32>
    %get3A_3 = vector.shape_cast %get3A_2 : vector<24x1x2048xf32> to vector<24x2048xf32>
    %convert_element_type3A = arith.truncf %get3A_3 : vector<24x2048xf32> to vector<24x2048xbf16>
    %get3A_4 = arith.constant 0 : index
    %get3A_5 = arith.constant 0 : index
    %get3A_6 = vector.load %arg1[%get3A_4, %get3A_5] : memref<2048x2048xbf16, #tpu.memory_space<vmem>>, vector<2048x2048xbf16>
    %dot_general3A = arith.constant dense<0.000000e+00> : vector<24x2048xf32>
    %dot_general3A_7 = tpu.matmul %convert_element_type3A, %get3A_6, %dot_general3A {dimension_numbers = #tpu.dot_dimension_numbers<[1], [0], [0], [1], [0, 0, 1, 1], [], []>, transpose_lhs_hint = false} : vector<24x2048xbf16>, vector<2048x2048xbf16>, vector<24x2048xf32> -> vector<24x2048xf32>
    %reduce_sum3A = arith.constant dense<0.000000e+00> : vector<24xf32>
    %reduce_sum3A_8 = vector.multi_reduction <add>, %dot_general3A_7, %reduce_sum3A [1] : vector<24x2048xf32> to vector<24xf32>
    %broadcast_in_dim3A = vector.shape_cast %reduce_sum3A_8 : vector<24xf32> to vector<24x1xf32>
    %div3A = arith.constant 2.048000e+03 : f32
    %div3A_9 = vector.broadcast %div3A : f32 to vector<24x1xf32>
    %div3A_10 = arith.divf %broadcast_in_dim3A, %div3A_9 : vector<24x1xf32>
    %sub3A = vector.broadcast %div3A_10 : vector<24x1xf32> to vector<24x2048xf32>
    %sub3A_11 = arith.subf %dot_general3A_7, %sub3A : vector<24x2048xf32>
    %integer_pow3A = arith.mulf %sub3A_11, %sub3A_11 : vector<24x2048xf32>
    %reduce_sum3A_12 = arith.constant dense<0.000000e+00> : vector<24xf32>
    %reduce_sum3A_13 = vector.multi_reduction <add>, %integer_pow3A, %reduce_sum3A_12 [1] : vector<24x2048xf32> to vector<24xf32>
    %broadcast_in_dim3A_14 = vector.shape_cast %reduce_sum3A_13 : vector<24xf32> to vector<24x1xf32>
    %div3A_15 = arith.constant 2.048000e+03 : f32
    %div3A_16 = vector.broadcast %div3A_15 : f32 to vector<24x1xf32>
    %div3A_17 = arith.divf %broadcast_in_dim3A_14, %div3A_16 : vector<24x1xf32>
    %sub3A_18 = vector.broadcast %div3A_10 : vector<24x1xf32> to vector<24x2048xf32>
    %sub3A_19 = arith.subf %dot_general3A_7, %sub3A_18 : vector<24x2048xf32>
    %add3A = arith.constant 9.99999974E-6 : f32
    %add3A_20 = vector.broadcast %add3A : f32 to vector<24x1xf32>
    %add3A_21 = arith.addf %div3A_17, %add3A_20 : vector<24x1xf32>
    %sqrt3A = math.sqrt %add3A_21 : vector<24x1xf32>
    %div3A_22 = vector.broadcast %sqrt3A : vector<24x1xf32> to vector<24x2048xf32>
    %div3A_23 = arith.divf %sub3A_19, %div3A_22 : vector<24x2048xf32>
    %get3A_24 = arith.constant 0 : index
    %get3A_25 = arith.constant 0 : index
    %get3A_26 = vector.load %arg2[%get3A_24, %get3A_25] : memref<1x2048xf32, #tpu.memory_space<vmem>>, vector<1x2048xf32>
    %mul3A = vector.broadcast %get3A_26 : vector<1x2048xf32> to vector<24x2048xf32>
    %mul3A_27 = arith.mulf %div3A_23, %mul3A : vector<24x2048xf32>
    %get3A_28 = arith.constant 0 : index
    %get3A_29 = arith.constant 0 : index
    %get3A_30 = vector.load %arg3[%get3A_28, %get3A_29] : memref<1x2048xf32, #tpu.memory_space<vmem>>, vector<1x2048xf32>
    %add3A_31 = vector.broadcast %get3A_30 : vector<1x2048xf32> to vector<24x2048xf32>
    %add3A_32 = arith.addf %mul3A_27, %add3A_31 : vector<24x2048xf32>
    %broadcast_in_dim3A_33 = vector.shape_cast %add3A_32 : vector<24x2048xf32> to vector<24x1x2048xf32>
    %swap3A = arith.constant 0 : index
    %swap3A_34 = arith.constant 0 : index
    %swap3A_35 = arith.constant 0 : index
    %swap3A_36 = vector.load %arg4[%swap3A, %swap3A_34, %swap3A_35] : memref<24x1x2048xf32, #tpu.memory_space<vmem>>, vector<24x1x2048xf32>
    tpu.vector_store %arg4[%swap3A, %swap3A_34, %swap3A_35], %broadcast_in_dim3A_33 {strides = array<i32>} : memref<24x1x2048xf32, #tpu.memory_space<vmem>>, vector<24x1x2048xf32>,
    return
  }
}

module attributes {stable_mosaic.version = 14 : i64} {
  func.func @_big_body(%arg0: i32, %arg1: memref<1x576x2048xf32, #tpu.memory_space<vmem>>, %arg2: memref<2048x2048xbf16, #tpu.memory_space<vmem>>, %arg3: memref<1x1x2048xf32, #tpu.memory_space<vmem>>, %arg4: memref<1x2048xf32, #tpu.memory_space<vmem>>, %arg5: memref<1x2048xf32, #tpu.memory_space<vmem>>, %arg6: memref<1x1x32xf32, #tpu.memory_space<vmem>>, %arg7: memref<1x1x32xi32, #tpu.memory_space<vmem>>) attributes {dimension_semantics = [#tpu.dimension_semantics<arbitrary>], iteration_bounds = array<i64: 24>, scalar_prefetch = 0 : i64, scratch_operands = 0 : i64, tpu.core_type = #tpu.core_type<tc>, window_params = [{transform_indices = @transform_0, window_bounds = array<i64: 1, 576, 2048>}, {pipeline_mode = #tpu.pipeline_mode<synchronous>, transform_indices = @transform_1, window_bounds = array<i64: 2048, 2048>}, {transform_indices = @transform_2, window_bounds = array<i64: 1, 1, 2048>}, {pipeline_mode = #tpu.pipeline_mode<synchronous>, transform_indices = @transform_3, window_bounds = array<i64: 1, 2048>}, {pipeline_mode = #tpu.pipeline_mode<synchronous>, transform_indices = @transform_4, window_bounds = array<i64: 1, 2048>}, {transform_indices = @transform_5, window_bounds = array<i64: 1, 1, 32>}, {transform_indices = @transform_6, window_bounds = array<i64: 1, 1, 32>}]} {
    %get3A = arith.constant 0 : index
    %get3A_0 = arith.constant 0 : index
    %get3A_1 = arith.constant 0 : index
    %get3A_2 = vector.load %arg1[%get3A, %get3A_0, %get3A_1] : memref<1x576x2048xf32, #tpu.memory_space<vmem>>, vector<1x576x2048xf32>
    %get3A_3 = vector.shape_cast %get3A_2 : vector<1x576x2048xf32> to vector<576x2048xf32>
    %get3A_4 = arith.constant 0 : index
    %get3A_5 = arith.constant 0 : index
    %get3A_6 = arith.constant 0 : index
    %get3A_7 = vector.load %arg3[%get3A_4, %get3A_5, %get3A_6] : memref<1x1x2048xf32, #tpu.memory_space<vmem>>, vector<1x1x2048xf32>
    %get3A_8 = vector.shape_cast %get3A_7 : vector<1x1x2048xf32> to vector<1x2048xf32>
    %get3A_9 = arith.constant 0 : index
    %get3A_10 = arith.constant 0 : index
    %get3A_11 = vector.load %arg4[%get3A_9, %get3A_10] : memref<1x2048xf32, #tpu.memory_space<vmem>>, vector<1x2048xf32>
    %mul3A = arith.mulf %get3A_8, %get3A_11 : vector<1x2048xf32>
    %get3A_12 = arith.constant 0 : index
    %get3A_13 = arith.constant 0 : index
    %get3A_14 = vector.load %arg5[%get3A_12, %get3A_13] : memref<1x2048xf32, #tpu.memory_space<vmem>>, vector<1x2048xf32>
    %mul3A_15 = arith.mulf %get3A_14, %get3A_8 : vector<1x2048xf32>
    %reduce_sum3A = vector.shape_cast %mul3A_15 : vector<1x2048xf32> to vector<1x1x2048xf32>
    %reduce_sum3A_16 = arith.constant dense<0.000000e+00> : vector<1xf32>
    %reduce_sum3A_17 = vector.multi_reduction <add>, %reduce_sum3A, %reduce_sum3A_16 [1, 2] : vector<1x1x2048xf32> to vector<1xf32>
    %reduce_sum3A_18 = vector.shape_cast %reduce_sum3A_17 : vector<1xf32> to vector<1x1x1xf32>
    %reduce_sum3A_19 = vector.extract %reduce_sum3A_18[0, 0, 0] : f32 from vector<1x1x1xf32>
    %convert_element_type3A = arith.truncf %get3A_3 : vector<576x2048xf32> to vector<576x2048xbf16>
    %get3A_20 = arith.constant 0 : index
    %get3A_21 = arith.constant 0 : index
    %get3A_22 = vector.load %arg2[%get3A_20, %get3A_21] : memref<2048x2048xbf16, #tpu.memory_space<vmem>>, vector<2048x2048xbf16>
    %dot_general3A = arith.constant dense<0.000000e+00> : vector<576x2048xf32>
    %dot_general3A_23 = tpu.matmul %convert_element_type3A, %get3A_22, %dot_general3A {dimension_numbers = #tpu.dot_dimension_numbers<[1], [0], [0], [1], [0, 0, 1, 1], [], []>, transpose_lhs_hint = false} : vector<576x2048xbf16>, vector<2048x2048xbf16>, vector<576x2048xf32> -> vector<576x2048xf32>
    %reduce_sum3A_24 = arith.constant dense<0.000000e+00> : vector<576xf32>
    %reduce_sum3A_25 = vector.multi_reduction <add>, %dot_general3A_23, %reduce_sum3A_24 [1] : vector<576x2048xf32> to vector<576xf32>
    %broadcast_in_dim3A = vector.shape_cast %reduce_sum3A_25 : vector<576xf32> to vector<576x1xf32>
    %div3A = arith.constant 2.048000e+03 : f32
    %div3A_26 = vector.broadcast %div3A : f32 to vector<576x1xf32>
    %div3A_27 = arith.divf %broadcast_in_dim3A, %div3A_26 : vector<576x1xf32>
    %sub3A = vector.broadcast %div3A_27 : vector<576x1xf32> to vector<576x2048xf32>
    %sub3A_28 = arith.subf %dot_general3A_23, %sub3A : vector<576x2048xf32>
    %mul3A_29 = arith.mulf %sub3A_28, %sub3A_28 : vector<576x2048xf32>
    %reduce_sum3A_30 = arith.constant dense<0.000000e+00> : vector<576xf32>
    %reduce_sum3A_31 = vector.multi_reduction <add>, %mul3A_29, %reduce_sum3A_30 [1] : vector<576x2048xf32> to vector<576xf32>
    %broadcast_in_dim3A_32 = vector.shape_cast %reduce_sum3A_31 : vector<576xf32> to vector<576x1xf32>
    %div3A_33 = arith.constant 2.048000e+03 : f32
    %div3A_34 = vector.broadcast %div3A_33 : f32 to vector<576x1xf32>
    %div3A_35 = arith.divf %broadcast_in_dim3A_32, %div3A_34 : vector<576x1xf32>
    %mul3A_36 = vector.broadcast %mul3A : vector<1x2048xf32> to vector<576x2048xf32>
    %mul3A_37 = arith.mulf %sub3A_28, %mul3A_36 : vector<576x2048xf32>
    %reduce_sum3A_38 = arith.constant dense<0.000000e+00> : vector<576xf32>
    %reduce_sum3A_39 = vector.multi_reduction <add>, %mul3A_37, %reduce_sum3A_38 [1] : vector<576x2048xf32> to vector<576xf32>
    %broadcast_in_dim3A_40 = vector.shape_cast %reduce_sum3A_39 : vector<576xf32> to vector<576x1xf32>
    %add3A = arith.constant 9.99999974E-6 : f32
    %add3A_41 = vector.broadcast %add3A : f32 to vector<576x1xf32>
    %add3A_42 = arith.addf %div3A_35, %add3A_41 : vector<576x1xf32>
    %sqrt3A = math.sqrt %add3A_42 : vector<576x1xf32>
    %div3A_43 = arith.divf %broadcast_in_dim3A_40, %sqrt3A : vector<576x1xf32>
    %add3A_44 = vector.broadcast %reduce_sum3A_19 : f32 to vector<576x1xf32>
    %add3A_45 = arith.addf %div3A_43, %add3A_44 : vector<576x1xf32>
    %reduce_sum3A_46 = vector.shape_cast %add3A_45 : vector<576x1xf32> to vector<1x576x1xf32>
    %reduce_sum3A_47 = arith.constant dense<0.000000e+00> : vector<1xf32>
    %reduce_sum3A_48 = vector.multi_reduction <add>, %reduce_sum3A_46, %reduce_sum3A_47 [1, 2] : vector<1x576x1xf32> to vector<1xf32>
    %reduce_sum3A_49 = vector.shape_cast %reduce_sum3A_48 : vector<1xf32> to vector<1x1x1xf32>
    %reduce_sum3A_50 = vector.extract %reduce_sum3A_49[0, 0, 0] : f32 from vector<1x1x1xf32>
    %div3A_51 = arith.constant 5.760000e+02 : f32
    %div3A_52 = arith.divf %reduce_sum3A_50, %div3A_51 : f32
    %sub3A_53 = vector.broadcast %div3A_52 : f32 to vector<576x1xf32>
    %sub3A_54 = arith.subf %add3A_45, %sub3A_53 : vector<576x1xf32>
    %integer_pow3A = arith.mulf %sub3A_54, %sub3A_54 : vector<576x1xf32>
    %reduce_sum3A_55 = vector.shape_cast %integer_pow3A : vector<576x1xf32> to vector<1x576x1xf32>
    %reduce_sum3A_56 = arith.constant dense<0.000000e+00> : vector<1xf32>
    %reduce_sum3A_57 = vector.multi_reduction <add>, %reduce_sum3A_55, %reduce_sum3A_56 [1, 2] : vector<1x576x1xf32> to vector<1xf32>
    %reduce_sum3A_58 = vector.shape_cast %reduce_sum3A_57 : vector<1xf32> to vector<1x1x1xf32>
    %reduce_sum3A_59 = vector.extract %reduce_sum3A_58[0, 0, 0] : f32 from vector<1x1x1xf32>
    %div3A_60 = arith.constant 5.760000e+02 : f32
    %div3A_61 = arith.divf %reduce_sum3A_59, %div3A_60 : f32
    %sqrt3A_62 = math.sqrt %div3A_61 : f32
    %sub3A_63 = vector.broadcast %div3A_52 : f32 to vector<576x1xf32>
    %sub3A_64 = arith.subf %add3A_45, %sub3A_63 : vector<576x1xf32>
    %add3A_65 = arith.constant 9.99999997E-7 : f32
    %add3A_66 = arith.addf %sqrt3A_62, %add3A_65 : f32
    %div3A_67 = vector.broadcast %add3A_66 : f32 to vector<576x1xf32>
    %div3A_68 = arith.divf %sub3A_64, %div3A_67 : vector<576x1xf32>
    %iota3A = tpu.iota {dimensions = array<i32: 0>} : vector<576x1xi32>
    %iota3A_69 = tpu.iota {dimensions = array<i32: 1>} : vector<1x32xi32>
    %broadcast_in_dim3A_70 = arith.constant 0.000000e+00 : f32
    %broadcast_in_dim3A_71 = vector.broadcast %broadcast_in_dim3A_70 : f32 to vector<1x32xf32>
    %broadcast_in_dim3A_72 = arith.constant 0 : i32
    %broadcast_in_dim3A_73 = vector.broadcast %broadcast_in_dim3A_72 : i32 to vector<1x32xi32>
    %scan3A = arith.constant 0 : i32
    %scan3A_74 = arith.constant 32 : i32
    %scan3A_75 = arith.addi %scan3A, %scan3A_74 : i32
    %scan3A_76 = arith.constant 1 : i32
    %scan3A_77:3 = scf.for %scan3A_88 = %scan3A to %scan3A_75 step %scan3A_76 iter_args(%scan3A_89 = %div3A_68, %scan3A_90 = %broadcast_in_dim3A_71, %scan3A_91 = %broadcast_in_dim3A_73) -> (vector<576x1xf32>, vector<1x32xf32>, vector<1x32xi32>)  : i32 {
      %reduce_max3A = vector.shape_cast %scan3A_89 : vector<576x1xf32> to vector<1x576x1xf32>
      %reduce_max3A_92 = arith.constant dense<0xFF800000> : vector<1xf32>
      %reduce_max3A_93 = vector.multi_reduction <maximumf>, %reduce_max3A, %reduce_max3A_92 [1, 2] : vector<1x576x1xf32> to vector<1xf32>
      %reduce_max3A_94 = vector.shape_cast %reduce_max3A_93 : vector<1xf32> to vector<1x1x1xf32>
      %reduce_max3A_95 = vector.extract %reduce_max3A_94[0, 0, 0] : f32 from vector<1x1x1xf32>
      %eq3A = vector.broadcast %reduce_max3A_95 : f32 to vector<576x1xf32>
      %eq3A_96 = arith.cmpf oeq, %scan3A_89, %eq3A : vector<576x1xf32>
      %jit3A = arith.constant 576 : i32
      %broadcast_in_dim3A_97 = vector.broadcast %jit3A : i32 to vector<576x1xi32>
      %select_n3A = arith.select %eq3A_96, %iota3A, %broadcast_in_dim3A_97 : vector<576x1xi1>, vector<576x1xi32>
      %reduce_min3A = vector.shape_cast %select_n3A : vector<576x1xi32> to vector<1x576x1xi32>
      %reduce_min3A_98 = arith.constant dense<2147483647> : vector<1xi32>
      %reduce_min3A_99 = vector.multi_reduction <minsi>, %reduce_min3A, %reduce_min3A_98 [1, 2] : vector<1x576x1xi32> to vector<1xi32>
      %reduce_min3A_100 = vector.shape_cast %reduce_min3A_99 : vector<1xi32> to vector<1x1x1xi32>
      %reduce_min3A_101 = vector.extract %reduce_min3A_100[0, 0, 0] : i32 from vector<1x1x1xi32>
      %eq3A_102 = vector.broadcast %scan3A_88 : i32 to vector<1x32xi32>
      %eq3A_103 = arith.cmpi eq, %iota3A_69, %eq3A_102 : vector<1x32xi32>
      %broadcast_in_dim3A_104 = vector.broadcast %reduce_max3A_95 : f32 to vector<1x32xf32>
      %select_n3A_105 = arith.select %eq3A_103, %broadcast_in_dim3A_104, %scan3A_90 : vector<1x32xi1>, vector<1x32xf32>
      %eq3A_106 = vector.broadcast %scan3A_88 : i32 to vector<1x32xi32>
      %eq3A_107 = arith.cmpi eq, %iota3A_69, %eq3A_106 : vector<1x32xi32>
      %broadcast_in_dim3A_108 = vector.broadcast %reduce_min3A_101 : i32 to vector<1x32xi32>
      %select_n3A_109 = arith.select %eq3A_107, %broadcast_in_dim3A_108, %scan3A_91 : vector<1x32xi1>, vector<1x32xi32>
      %eq3A_110 = vector.broadcast %reduce_min3A_101 : i32 to vector<576x1xi32>
      %eq3A_111 = arith.cmpi eq, %iota3A, %eq3A_110 : vector<576x1xi32>
      %jit3A_112 = arith.constant -3.000000e+38 : f32
      %broadcast_in_dim3A_113 = vector.broadcast %jit3A_112 : f32 to vector<576x1xf32>
      %select_n3A_114 = arith.select %eq3A_111, %broadcast_in_dim3A_113, %scan3A_89 : vector<576x1xi1>, vector<576x1xf32>
      scf.yield %select_n3A_114, %select_n3A_105, %select_n3A_109 : vector<576x1xf32>, vector<1x32xf32>, vector<1x32xi32>
    }
    %scan3A_78 = arith.constant 32 : i32
    %broadcast_in_dim3A_79 = vector.shape_cast %scan3A_77#1 : vector<1x32xf32> to vector<1x1x32xf32>
    %swap3A = arith.constant 0 : index
    %swap3A_80 = arith.constant 0 : index
    %swap3A_81 = arith.constant 0 : index
    %swap3A_82 = vector.load %arg6[%swap3A, %swap3A_80, %swap3A_81] : memref<1x1x32xf32, #tpu.memory_space<vmem>>, vector<1x1x32xf32>
    tpu.vector_store %arg6[%swap3A, %swap3A_80, %swap3A_81], %broadcast_in_dim3A_79 {strides = array<i32>} : memref<1x1x32xf32, #tpu.memory_space<vmem>>, vector<1x1x32xf32>,
    %broadcast_in_dim3A_83 = vector.shape_cast %scan3A_77#2 : vector<1x32xi32> to vector<1x1x32xi32>
    %swap3A_84 = arith.constant 0 : index
    %swap3A_85 = arith.constant 0 : index
    %swap3A_86 = arith.constant 0 : index
    %swap3A_87 = vector.load %arg7[%swap3A_84, %swap3A_85, %swap3A_86] : memref<1x1x32xi32, #tpu.memory_space<vmem>>, vector<1x1x32xi32>
    tpu.vector_store %arg7[%swap3A_84, %swap3A_85, %swap3A_86], %broadcast_in_dim3A_83 {strides = array<i32>} : memref<1x1x32xi32, #tpu.memory_space<vmem>>, vector<1x1x32xi32>,
    return
  }
  func.func @transform_0(%arg0: i32) -> (i32, i32, i32) {
    %c0_i32 = arith.constant 0 : i32
    %c0_i32_0 = arith.constant 0 : i32
    %c0_i32_1 = arith.constant 0 : i32
    return %arg0, %c0_i32, %c0_i32_0 : i32, i32, i32
  }
  func.func @transform_1(%arg0: i32) -> (i32, i32) {
    %c0_i32 = arith.constant 0 : i32
    %c0_i32_0 = arith.constant 0 : i32
    %c0_i32_1 = arith.constant 0 : i32
    return %c0_i32, %c0_i32_0 : i32, i32
  }
  func.func @transform_2(%arg0: i32) -> (i32, i32, i32) {
    %c0_i32 = arith.constant 0 : i32
    %c0_i32_0 = arith.constant 0 : i32
    %c0_i32_1 = arith.constant 0 : i32
    return %arg0, %c0_i32, %c0_i32_0 : i32, i32, i32
  }
  func.func @transform_3(%arg0: i32) -> (i32, i32) {
    %c0_i32 = arith.constant 0 : i32
    %c0_i32_0 = arith.constant 0 : i32
    %c0_i32_1 = arith.constant 0 : i32
    return %c0_i32, %c0_i32_0 : i32, i32
  }
  func.func @transform_4(%arg0: i32) -> (i32, i32) {
    %c0_i32 = arith.constant 0 : i32
    %c0_i32_0 = arith.constant 0 : i32
    %c0_i32_1 = arith.constant 0 : i32
    return %c0_i32, %c0_i32_0 : i32, i32
  }
  func.func @transform_5(%arg0: i32) -> (i32, i32, i32) {
    %c0_i32 = arith.constant 0 : i32
    %c0_i32_0 = arith.constant 0 : i32
    %c0_i32_1 = arith.constant 0 : i32
    return %arg0, %c0_i32, %c0_i32_0 : i32, i32, i32
  }
  func.func @transform_6(%arg0: i32) -> (i32, i32, i32) {
    %c0_i32 = arith.constant 0 : i32
    %c0_i32_0 = arith.constant 0 : i32
    %c0_i32_1 = arith.constant 0 : i32
    return %arg0, %c0_i32, %c0_i32_0 : i32, i32, i32
  }
}

module attributes {stable_mosaic.version = 14 : i64} {
  func.func @_sel_body(%arg0: memref<24x1x32xf32, #tpu.memory_space<vmem>>, %arg1: memref<24x1x32xi32, #tpu.memory_space<vmem>>, %arg2: memref<64x1xi32, #tpu.memory_space<vmem>>, %arg3: memref<64x1xf32, #tpu.memory_space<vmem>>) attributes {dimension_semantics = [], scalar_prefetch = 0 : i64, scratch_operands = 0 : i64, tpu.core_type = #tpu.core_type<tc>} {
    %get3A = arith.constant 0 : index
    %get3A_0 = arith.constant 0 : index
    %get3A_1 = arith.constant 0 : index
    %get3A_2 = vector.load %arg0[%get3A, %get3A_0, %get3A_1] : memref<24x1x32xf32, #tpu.memory_space<vmem>>, vector<24x1x32xf32>
    %get3A_3 = vector.shape_cast %get3A_2 : vector<24x1x32xf32> to vector<24x32xf32>
    %get3A_4 = arith.constant 0 : index
    %get3A_5 = arith.constant 0 : index
    %get3A_6 = arith.constant 0 : index
    %get3A_7 = vector.load %arg1[%get3A_4, %get3A_5, %get3A_6] : memref<24x1x32xi32, #tpu.memory_space<vmem>>, vector<24x1x32xi32>
    %get3A_8 = vector.shape_cast %get3A_7 : vector<24x1x32xi32> to vector<24x32xi32>
    %iota3A = tpu.iota {dimensions = array<i32: 0>} : vector<24x24xi32>
    %iota3A_9 = tpu.iota {dimensions = array<i32: 1>} : vector<24x24xi32>
    %slice3A = vector.extract_strided_slice %get3A_3 {offsets = [0, 0], sizes = [24, 1], strides = [1, 1]} : vector<24x32xf32> to vector<24x1xf32>
    %eq3A = arith.cmpi eq, %iota3A, %iota3A_9 : vector<24x24xi32>
    %mul3A = arith.constant 0.000000e+00 : f32
    %mul3A_10 = vector.broadcast %mul3A : f32 to vector<24x1xf32>
    %mul3A_11 = arith.mulf %mul3A_10, %slice3A : vector<24x1xf32>
    %broadcast_in_dim3A = vector.shape_cast %slice3A : vector<24x1xf32> to vector<24x1xf32>
    %broadcast_in_dim3A_12 = vector.broadcast %broadcast_in_dim3A : vector<24x1xf32> to vector<24x24xf32>
    %broadcast_in_dim3A_13 = vector.shape_cast %mul3A_11 : vector<24x1xf32> to vector<24x1xf32>
    %broadcast_in_dim3A_14 = vector.broadcast %broadcast_in_dim3A_13 : vector<24x1xf32> to vector<24x24xf32>
    %select_n3A = arith.select %eq3A, %broadcast_in_dim3A_12, %broadcast_in_dim3A_14 : vector<24x24xi1>, vector<24x24xf32>
    %reduce_sum3A = arith.constant dense<0.000000e+00> : vector<24xf32>
    %reduce_sum3A_15 = vector.multi_reduction <add>, %select_n3A, %reduce_sum3A [0] : vector<24x24xf32> to vector<24xf32>
    %broadcast_in_dim3A_16 = vector.shape_cast %reduce_sum3A_15 : vector<24xf32> to vector<1x24xf32>
    %iota3A_17 = tpu.iota {dimensions = array<i32: 1>} : vector<1x24xi32>
    %ne3A = arith.constant 22 : i32
    %ne3A_18 = vector.broadcast %ne3A : i32 to vector<1x24xi32>
    %ne3A_19 = arith.cmpi ne, %iota3A_17, %ne3A_18 : vector<1x24xi32>
    %gt3A = arith.constant 3.000000e+00 : f32
    %gt3A_20 = vector.broadcast %gt3A : f32 to vector<1x24xf32>
    %gt3A_21 = arith.cmpf ogt, %broadcast_in_dim3A_16, %gt3A_20 : vector<1x24xf32>
    %and3A = arith.andi %ne3A_19, %gt3A_21 : vector<1x24xi1>
    %convert_element_type3A = arith.extui %and3A : vector<1x24xi1> to vector<1x24xi32>
    %reduce_sum3A_22 = vector.shape_cast %convert_element_type3A : vector<1x24xi32> to vector<1x1x24xi32>
    %reduce_sum3A_23 = arith.constant dense<0> : vector<1xi32>
    %reduce_sum3A_24 = vector.multi_reduction <add>, %reduce_sum3A_22, %reduce_sum3A_23 [1, 2] : vector<1x1x24xi32> to vector<1xi32>
    %reduce_sum3A_25 = vector.shape_cast %reduce_sum3A_24 : vector<1xi32> to vector<1x1x1xi32>
    %reduce_sum3A_26 = vector.extract %reduce_sum3A_25[0, 0, 0] : i32 from vector<1x1x1xi32>
    %le3A = arith.cmpi sle, %iota3A_9, %iota3A : vector<24x24xi32>
    %mul3A_27 = arith.constant 0 : i32
    %mul3A_28 = vector.broadcast %mul3A_27 : i32 to vector<1x24xi32>
    %mul3A_29 = arith.muli %mul3A_28, %convert_element_type3A : vector<1x24xi32>
    %broadcast_in_dim3A_30 = vector.shape_cast %convert_element_type3A : vector<1x24xi32> to vector<1x24xi32>
    %broadcast_in_dim3A_31 = vector.broadcast %broadcast_in_dim3A_30 : vector<1x24xi32> to vector<24x24xi32>
    %broadcast_in_dim3A_32 = vector.shape_cast %mul3A_29 : vector<1x24xi32> to vector<1x24xi32>
    %broadcast_in_dim3A_33 = vector.broadcast %broadcast_in_dim3A_32 : vector<1x24xi32> to vector<24x24xi32>
    %select_n3A_34 = arith.select %le3A, %broadcast_in_dim3A_31, %broadcast_in_dim3A_33 : vector<24x24xi1>, vector<24x24xi32>
    %reduce_sum3A_35 = arith.constant dense<0> : vector<24xi32>
    %reduce_sum3A_36 = vector.multi_reduction <add>, %select_n3A_34, %reduce_sum3A_35 [1] : vector<24x24xi32> to vector<24xi32>
    %broadcast_in_dim3A_37 = vector.shape_cast %reduce_sum3A_36 : vector<24xi32> to vector<24x1xi32>
    %eq3A_38 = arith.cmpi eq, %iota3A, %iota3A_9 : vector<24x24xi32>
    %mul3A_39 = arith.constant 0 : i32
    %mul3A_40 = vector.broadcast %mul3A_39 : i32 to vector<24x1xi32>
    %mul3A_41 = arith.muli %mul3A_40, %broadcast_in_dim3A_37 : vector<24x1xi32>
    %broadcast_in_dim3A_42 = vector.shape_cast %broadcast_in_dim3A_37 : vector<24x1xi32> to vector<24x1xi32>
    %broadcast_in_dim3A_43 = vector.broadcast %broadcast_in_dim3A_42 : vector<24x1xi32> to vector<24x24xi32>
    %broadcast_in_dim3A_44 = vector.shape_cast %mul3A_41 : vector<24x1xi32> to vector<24x1xi32>
    %broadcast_in_dim3A_45 = vector.broadcast %broadcast_in_dim3A_44 : vector<24x1xi32> to vector<24x24xi32>
    %select_n3A_46 = arith.select %eq3A_38, %broadcast_in_dim3A_43, %broadcast_in_dim3A_45 : vector<24x24xi1>, vector<24x24xi32>
    %reduce_sum3A_47 = arith.constant dense<0> : vector<24xi32>
    %reduce_sum3A_48 = vector.multi_reduction <add>, %select_n3A_46, %reduce_sum3A_47 [0] : vector<24x24xi32> to vector<24xi32>
    %broadcast_in_dim3A_49 = vector.shape_cast %reduce_sum3A_48 : vector<24xi32> to vector<1x24xi32>
    %sub3A = arith.constant 1 : i32
    %sub3A_50 = vector.broadcast %sub3A : i32 to vector<1x24xi32>
    %sub3A_51 = arith.subi %broadcast_in_dim3A_49, %sub3A_50 : vector<1x24xi32>
    %max3A = arith.constant 1 : i32
    %max3A_52 = arith.maxsi %reduce_sum3A_26, %max3A : i32
    %jit3A = arith.constant 32 : i32
    %div3A = arith.divsi %jit3A, %max3A_52 : i32
    %sign3A = arith.constant 0 : i32
    %sign3A_53 = arith.cmpi sgt, %jit3A, %sign3A : i32
    %sign3A_54 = arith.extui %sign3A_53 : i1 to i32
    %sign3A_55 = arith.constant 0 : i32
    %sign3A_56 = arith.cmpi slt, %jit3A, %sign3A_55 : i32
    %sign3A_57 = arith.extui %sign3A_56 : i1 to i32
    %sign3A_58 = arith.subi %sign3A_54, %sign3A_57 : i32
    %sign3A_59 = arith.constant 0 : i32
    %sign3A_60 = arith.cmpi sgt, %max3A_52, %sign3A_59 : i32
    %sign3A_61 = arith.extui %sign3A_60 : i1 to i32
    %sign3A_62 = arith.constant 0 : i32
    %sign3A_63 = arith.cmpi slt, %max3A_52, %sign3A_62 : i32
    %sign3A_64 = arith.extui %sign3A_63 : i1 to i32
    %sign3A_65 = arith.subi %sign3A_61, %sign3A_64 : i32
    %ne3A_66 = arith.cmpi ne, %sign3A_58, %sign3A_65 : i32
    %rem3A = arith.remsi %jit3A, %max3A_52 : i32
    %ne3A_67 = arith.constant 0 : i32
    %ne3A_68 = arith.cmpi ne, %rem3A, %ne3A_67 : i32
    %and3A_69 = arith.andi %ne3A_66, %ne3A_68 : i1
    %sub3A_70 = arith.constant 1 : i32
    %sub3A_71 = arith.subi %div3A, %sub3A_70 : i32
    %select_n3A_72 = arith.select %and3A_69, %sub3A_71, %div3A : i32
    %mul3A_73 = arith.muli %select_n3A_72, %reduce_sum3A_26 : i32
    %sub3A_74 = arith.constant 32 : i32
    %sub3A_75 = arith.subi %sub3A_74, %mul3A_73 : i32
    %lt3A = vector.broadcast %sub3A_75 : i32 to vector<1x24xi32>
    %lt3A_76 = arith.cmpi slt, %sub3A_51, %lt3A : vector<1x24xi32>
    %convert_element_type3A_77 = arith.extui %lt3A_76 : vector<1x24xi1> to vector<1x24xi32>
    %add3A = vector.broadcast %select_n3A_72 : i32 to vector<1x24xi32>
    %add3A_78 = arith.addi %add3A, %convert_element_type3A_77 : vector<1x24xi32>
    %min3A = arith.constant 576 : i32
    %min3A_79 = vector.broadcast %min3A : i32 to vector<1x24xi32>
    %min3A_80 = arith.minsi %add3A_78, %min3A_79 : vector<1x24xi32>
    %jit3A_81 = arith.constant 0 : i32
    %broadcast_in_dim3A_82 = vector.broadcast %jit3A_81 : i32 to vector<1x24xi32>
    %select_n3A_83 = arith.select %and3A, %min3A_80, %broadcast_in_dim3A_82 : vector<1x24xi1>, vector<1x24xi32>
    %neg3A = arith.constant 0.000000e+00 : f32
    %neg3A_84 = vector.broadcast %neg3A : f32 to vector<1x24xf32>
    %neg3A_85 = arith.subf %neg3A_84, %broadcast_in_dim3A_16 : vector<1x24xf32>
    %jit3A_86 = arith.constant 3.000000e+38 : f32
    %broadcast_in_dim3A_87 = vector.broadcast %jit3A_86 : f32 to vector<1x24xf32>
    %select_n3A_88 = arith.select %ne3A_19, %neg3A_85, %broadcast_in_dim3A_87 : vector<1x24xi1>, vector<1x24xf32>
    %eq3A_89 = arith.cmpi eq, %iota3A, %iota3A_9 : vector<24x24xi32>
    %mul3A_90 = arith.constant 0.000000e+00 : f32
    %mul3A_91 = vector.broadcast %mul3A_90 : f32 to vector<1x24xf32>
    %mul3A_92 = arith.mulf %mul3A_91, %select_n3A_88 : vector<1x24xf32>
    %broadcast_in_dim3A_93 = vector.shape_cast %select_n3A_88 : vector<1x24xf32> to vector<1x24xf32>
    %broadcast_in_dim3A_94 = vector.broadcast %broadcast_in_dim3A_93 : vector<1x24xf32> to vector<24x24xf32>
    %broadcast_in_dim3A_95 = vector.shape_cast %mul3A_92 : vector<1x24xf32> to vector<1x24xf32>
    %broadcast_in_dim3A_96 = vector.broadcast %broadcast_in_dim3A_95 : vector<1x24xf32> to vector<24x24xf32>
    %select_n3A_97 = arith.select %eq3A_89, %broadcast_in_dim3A_94, %broadcast_in_dim3A_96 : vector<24x24xi1>, vector<24x24xf32>
    %reduce_sum3A_98 = arith.constant dense<0.000000e+00> : vector<24xf32>
    %reduce_sum3A_99 = vector.multi_reduction <add>, %select_n3A_97, %reduce_sum3A_98 [1] : vector<24x24xf32> to vector<24xf32>
    %broadcast_in_dim3A_100 = vector.shape_cast %reduce_sum3A_99 : vector<24xf32> to vector<24x1xf32>
    %lt3A_101 = vector.broadcast %select_n3A_88 : vector<1x24xf32> to vector<24x24xf32>
    %lt3A_102 = vector.broadcast %broadcast_in_dim3A_100 : vector<24x1xf32> to vector<24x24xf32>
    %lt3A_103 = arith.cmpf olt, %lt3A_101, %lt3A_102 : vector<24x24xf32>
    %convert_element_type3A_104 = arith.extui %lt3A_103 : vector<24x24xi1> to vector<24x24xi32>
    %eq3A_105 = vector.broadcast %select_n3A_88 : vector<1x24xf32> to vector<24x24xf32>
    %eq3A_106 = vector.broadcast %broadcast_in_dim3A_100 : vector<24x1xf32> to vector<24x24xf32>
    %eq3A_107 = arith.cmpf oeq, %eq3A_105, %eq3A_106 : vector<24x24xf32>
    %lt3A_108 = arith.cmpi slt, %iota3A_9, %iota3A : vector<24x24xi32>
    %and3A_109 = arith.andi %eq3A_107, %lt3A_108 : vector<24x24xi1>
    %convert_element_type3A_110 = arith.extui %and3A_109 : vector<24x24xi1> to vector<24x24xi32>
    %add3A_111 = arith.addi %convert_element_type3A_104, %convert_element_type3A_110 : vector<24x24xi32>
    %reduce_sum3A_112 = arith.constant dense<0> : vector<24xi32>
    %reduce_sum3A_113 = vector.multi_reduction <add>, %add3A_111, %reduce_sum3A_112 [1] : vector<24x24xi32> to vector<24xi32>
    %broadcast_in_dim3A_114 = vector.shape_cast %reduce_sum3A_113 : vector<24xi32> to vector<24x1xi32>
    %eq3A_115 = arith.cmpi eq, %iota3A, %iota3A_9 : vector<24x24xi32>
    %mul3A_116 = arith.constant 0 : i32
    %mul3A_117 = vector.broadcast %mul3A_116 : i32 to vector<24x1xi32>
    %mul3A_118 = arith.muli %mul3A_117, %broadcast_in_dim3A_114 : vector<24x1xi32>
    %broadcast_in_dim3A_119 = vector.shape_cast %broadcast_in_dim3A_114 : vector<24x1xi32> to vector<24x1xi32>
    %broadcast_in_dim3A_120 = vector.broadcast %broadcast_in_dim3A_119 : vector<24x1xi32> to vector<24x24xi32>
    %broadcast_in_dim3A_121 = vector.shape_cast %mul3A_118 : vector<24x1xi32> to vector<24x1xi32>
    %broadcast_in_dim3A_122 = vector.broadcast %broadcast_in_dim3A_121 : vector<24x1xi32> to vector<24x24xi32>
    %select_n3A_123 = arith.select %eq3A_115, %broadcast_in_dim3A_120, %broadcast_in_dim3A_122 : vector<24x24xi1>, vector<24x24xi32>
    %reduce_sum3A_124 = arith.constant dense<0> : vector<24xi32>
    %reduce_sum3A_125 = vector.multi_reduction <add>, %select_n3A_123, %reduce_sum3A_124 [0] : vector<24x24xi32> to vector<24xi32>
    %broadcast_in_dim3A_126 = vector.shape_cast %reduce_sum3A_125 : vector<24xi32> to vector<1x24xi32>
    %lt3A_127 = arith.constant 8 : i32
    %lt3A_128 = vector.broadcast %lt3A_127 : i32 to vector<1x24xi32>
    %lt3A_129 = arith.cmpi slt, %broadcast_in_dim3A_126, %lt3A_128 : vector<1x24xi32>
    %lt3A_130 = arith.constant 0 : i32
    %lt3A_131 = vector.broadcast %lt3A_130 : i32 to vector<1x24xi32>
    %lt3A_132 = arith.cmpi slt, %broadcast_in_dim3A_126, %lt3A_131 : vector<1x24xi32>
    %convert_element_type3A_133 = arith.extui %lt3A_132 : vector<1x24xi1> to vector<1x24xi32>
    %add3A_134 = arith.constant 4 : i32
    %add3A_135 = vector.broadcast %add3A_134 : i32 to vector<1x24xi32>
    %add3A_136 = arith.addi %add3A_135, %convert_element_type3A_133 : vector<1x24xi32>
    %min3A_137 = arith.constant 576 : i32
    %min3A_138 = vector.broadcast %min3A_137 : i32 to vector<1x24xi32>
    %min3A_139 = arith.minsi %add3A_136, %min3A_138 : vector<1x24xi32>
    %jit3A_140 = arith.constant 0 : i32
    %broadcast_in_dim3A_141 = vector.broadcast %jit3A_140 : i32 to vector<1x24xi32>
    %select_n3A_142 = arith.select %lt3A_129, %min3A_139, %broadcast_in_dim3A_141 : vector<1x24xi1>, vector<1x24xi32>
    %ge3A = arith.constant 8 : i32
    %ge3A_143 = arith.cmpi sge, %reduce_sum3A_26, %ge3A : i32
    %select_n3A_144 = arith.select %ge3A_143, %select_n3A_83, %select_n3A_142 : vector<1x24xi32>
    %le3A_145 = arith.cmpi sle, %iota3A_9, %iota3A : vector<24x24xi32>
    %mul3A_146 = arith.constant 0 : i32
    %mul3A_147 = vector.broadcast %mul3A_146 : i32 to vector<1x24xi32>
    %mul3A_148 = arith.muli %mul3A_147, %select_n3A_144 : vector<1x24xi32>
    %broadcast_in_dim3A_149 = vector.shape_cast %select_n3A_144 : vector<1x24xi32> to vector<1x24xi32>
    %broadcast_in_dim3A_150 = vector.broadcast %broadcast_in_dim3A_149 : vector<1x24xi32> to vector<24x24xi32>
    %broadcast_in_dim3A_151 = vector.shape_cast %mul3A_148 : vector<1x24xi32> to vector<1x24xi32>
    %broadcast_in_dim3A_152 = vector.broadcast %broadcast_in_dim3A_151 : vector<1x24xi32> to vector<24x24xi32>
    %select_n3A_153 = arith.select %le3A_145, %broadcast_in_dim3A_150, %broadcast_in_dim3A_152 : vector<24x24xi1>, vector<24x24xi32>
    %reduce_sum3A_154 = arith.constant dense<0> : vector<24xi32>
    %reduce_sum3A_155 = vector.multi_reduction <add>, %select_n3A_153, %reduce_sum3A_154 [1] : vector<24x24xi32> to vector<24xi32>
    %broadcast_in_dim3A_156 = vector.shape_cast %reduce_sum3A_155 : vector<24xi32> to vector<24x1xi32>
    %eq3A_157 = arith.cmpi eq, %iota3A, %iota3A_9 : vector<24x24xi32>
    %mul3A_158 = arith.constant 0 : i32
    %mul3A_159 = vector.broadcast %mul3A_158 : i32 to vector<24x1xi32>
    %mul3A_160 = arith.muli %mul3A_159, %broadcast_in_dim3A_156 : vector<24x1xi32>
    %broadcast_in_dim3A_161 = vector.shape_cast %broadcast_in_dim3A_156 : vector<24x1xi32> to vector<24x1xi32>
    %broadcast_in_dim3A_162 = vector.broadcast %broadcast_in_dim3A_161 : vector<24x1xi32> to vector<24x24xi32>
    %broadcast_in_dim3A_163 = vector.shape_cast %mul3A_160 : vector<24x1xi32> to vector<24x1xi32>
    %broadcast_in_dim3A_164 = vector.broadcast %broadcast_in_dim3A_163 : vector<24x1xi32> to vector<24x24xi32>
    %select_n3A_165 = arith.select %eq3A_157, %broadcast_in_dim3A_162, %broadcast_in_dim3A_164 : vector<24x24xi1>, vector<24x24xi32>
    %reduce_sum3A_166 = arith.constant dense<0> : vector<24xi32>
    %reduce_sum3A_167 = vector.multi_reduction <add>, %select_n3A_165, %reduce_sum3A_166 [0] : vector<24x24xi32> to vector<24xi32>
    %broadcast_in_dim3A_168 = vector.shape_cast %reduce_sum3A_167 : vector<24xi32> to vector<1x24xi32>
    %sub3A_169 = arith.subi %broadcast_in_dim3A_168, %select_n3A_144 : vector<1x24xi32>
    %iota3A_170 = tpu.iota {dimensions = array<i32: 0>} : vector<32x1xi32>
    %le3A_171 = vector.broadcast %broadcast_in_dim3A_168 : vector<1x24xi32> to vector<32x24xi32>
    %le3A_172 = vector.broadcast %iota3A_170 : vector<32x1xi32> to vector<32x24xi32>
    %le3A_173 = arith.cmpi sle, %le3A_171, %le3A_172 : vector<32x24xi32>
    %convert_element_type3A_174 = arith.extui %le3A_173 : vector<32x24xi1> to vector<32x24xi32>
    %reduce_sum3A_175 = arith.constant dense<0> : vector<32xi32>
    %reduce_sum3A_176 = vector.multi_reduction <add>, %convert_element_type3A_174, %reduce_sum3A_175 [1] : vector<32x24xi32> to vector<32xi32>
    %broadcast_in_dim3A_177 = vector.shape_cast %reduce_sum3A_176 : vector<32xi32> to vector<32x1xi32>
    %iota3A_178 = tpu.iota {dimensions = array<i32: 1>} : vector<1x24xi32>
    %eq3A_179 = vector.broadcast %broadcast_in_dim3A_177 : vector<32x1xi32> to vector<32x24xi32>
    %eq3A_180 = vector.broadcast %iota3A_178 : vector<1x24xi32> to vector<32x24xi32>
    %eq3A_181 = arith.cmpi eq, %eq3A_179, %eq3A_180 : vector<32x24xi32>
    %convert_element_type3A_182 = arith.extui %eq3A_181 : vector<32x24xi1> to vector<32x24xi32>
    %convert_element_type3A_183 = arith.sitofp %convert_element_type3A_182 : vector<32x24xi32> to vector<32x24xf32>
    %convert_element_type3A_184 = arith.sitofp %sub3A_169 : vector<1x24xi32> to vector<1x24xf32>
    %mul3A_185 = vector.broadcast %convert_element_type3A_184 : vector<1x24xf32> to vector<32x24xf32>
    %mul3A_186 = arith.mulf %convert_element_type3A_183, %mul3A_185 : vector<32x24xf32>
    %reduce_sum3A_187 = arith.constant dense<0.000000e+00> : vector<32xf32>
    %reduce_sum3A_188 = vector.multi_reduction <add>, %mul3A_186, %reduce_sum3A_187 [1] : vector<32x24xf32> to vector<32xf32>
    %broadcast_in_dim3A_189 = vector.shape_cast %reduce_sum3A_188 : vector<32xf32> to vector<32x1xf32>
    %convert_element_type3A_190 = arith.fptosi %broadcast_in_dim3A_189 : vector<32x1xf32> to vector<32x1xi32>
    %sub3A_191 = arith.subi %iota3A_170, %convert_element_type3A_190 : vector<32x1xi32>
    %broadcast_in_dim3A_192 = arith.constant 0.000000e+00 : f32
    %broadcast_in_dim3A_193 = vector.broadcast %broadcast_in_dim3A_192 : f32 to vector<32x32xf32>
    %broadcast_in_dim3A_194 = arith.constant 0 : i32
    %broadcast_in_dim3A_195 = vector.broadcast %broadcast_in_dim3A_194 : i32 to vector<32x32xi32>
    %eq3A_196 = arith.constant 0 : i32
    %eq3A_197 = vector.broadcast %eq3A_196 : i32 to vector<32x1xi32>
    %eq3A_198 = arith.cmpi eq, %broadcast_in_dim3A_177, %eq3A_197 : vector<32x1xi32>
    %slice3A_199 = vector.extract_strided_slice %get3A_3 {offsets = [0, 0], sizes = [1, 32], strides = [1, 1]} : vector<24x32xf32> to vector<1x32xf32>
    %broadcast_in_dim3A_200 = vector.shape_cast %eq3A_198 : vector<32x1xi1> to vector<32x1xi1>
    %broadcast_in_dim3A_201 = vector.broadcast %broadcast_in_dim3A_200 : vector<32x1xi1> to vector<32x32xi1>
    %broadcast_in_dim3A_202 = vector.shape_cast %slice3A_199 : vector<1x32xf32> to vector<1x32xf32>
    %broadcast_in_dim3A_203 = vector.broadcast %broadcast_in_dim3A_202 : vector<1x32xf32> to vector<32x32xf32>
    %select_n3A_204 = arith.select %broadcast_in_dim3A_201, %broadcast_in_dim3A_203, %broadcast_in_dim3A_193 : vector<32x32xi1>, vector<32x32xf32>
    %eq3A_205 = arith.constant 0 : i32
    %eq3A_206 = vector.broadcast %eq3A_205 : i32 to vector<32x1xi32>
    %eq3A_207 = arith.cmpi eq, %broadcast_in_dim3A_177, %eq3A_206 : vector<32x1xi32>
    %slice3A_208 = vector.extract_strided_slice %get3A_8 {offsets = [0, 0], sizes = [1, 32], strides = [1, 1]} : vector<24x32xi32> to vector<1x32xi32>
    %broadcast_in_dim3A_209 = vector.shape_cast %eq3A_207 : vector<32x1xi1> to vector<32x1xi1>
    %broadcast_in_dim3A_210 = vector.broadcast %broadcast_in_dim3A_209 : vector<32x1xi1> to vector<32x32xi1>
    %broadcast_in_dim3A_211 = vector.shape_cast %slice3A_208 : vector<1x32xi32> to vector<1x32xi32>
    %broadcast_in_dim3A_212 = vector.broadcast %broadcast_in_dim3A_211 : vector<1x32xi32> to vector<32x32xi32>
    %select_n3A_213 = arith.select %broadcast_in_dim3A_210, %broadcast_in_dim3A_212, %broadcast_in_dim3A_195 : vector<32x32xi1>, vector<32x32xi32>
    %eq3A_214 = arith.constant 1 : i32
    %eq3A_215 = vector.broadcast %eq3A_214 : i32 to vector<32x1xi32>
    %eq3A_216 = arith.cmpi eq, %broadcast_in_dim3A_177, %eq3A_215 : vector<32x1xi32>
    %slice3A_217 = vector.extract_strided_slice %get3A_3 {offsets = [1, 0], sizes = [1, 32], strides = [1, 1]} : vector<24x32xf32> to vector<1x32xf32>
    %broadcast_in_dim3A_218 = vector.shape_cast %eq3A_216 : vector<32x1xi1> to vector<32x1xi1>
    %broadcast_in_dim3A_219 = vector.broadcast %broadcast_in_dim3A_218 : vector<32x1xi1> to vector<32x32xi1>
    %broadcast_in_dim3A_220 = vector.shape_cast %slice3A_217 : vector<1x32xf32> to vector<1x32xf32>
    %broadcast_in_dim3A_221 = vector.broadcast %broadcast_in_dim3A_220 : vector<1x32xf32> to vector<32x32xf32>
    %select_n3A_222 = arith.select %broadcast_in_dim3A_219, %broadcast_in_dim3A_221, %select_n3A_204 : vector<32x32xi1>, vector<32x32xf32>
    %eq3A_223 = arith.constant 1 : i32
    %eq3A_224 = vector.broadcast %eq3A_223 : i32 to vector<32x1xi32>
    %eq3A_225 = arith.cmpi eq, %broadcast_in_dim3A_177, %eq3A_224 : vector<32x1xi32>
    %slice3A_226 = vector.extract_strided_slice %get3A_8 {offsets = [1, 0], sizes = [1, 32], strides = [1, 1]} : vector<24x32xi32> to vector<1x32xi32>
    %broadcast_in_dim3A_227 = vector.shape_cast %eq3A_225 : vector<32x1xi1> to vector<32x1xi1>
    %broadcast_in_dim3A_228 = vector.broadcast %broadcast_in_dim3A_227 : vector<32x1xi1> to vector<32x32xi1>
    %broadcast_in_dim3A_229 = vector.shape_cast %slice3A_226 : vector<1x32xi32> to vector<1x32xi32>
    %broadcast_in_dim3A_230 = vector.broadcast %broadcast_in_dim3A_229 : vector<1x32xi32> to vector<32x32xi32>
    %select_n3A_231 = arith.select %broadcast_in_dim3A_228, %broadcast_in_dim3A_230, %select_n3A_213 : vector<32x32xi1>, vector<32x32xi32>
    %eq3A_232 = arith.constant 2 : i32
    %eq3A_233 = vector.broadcast %eq3A_232 : i32 to vector<32x1xi32>
    %eq3A_234 = arith.cmpi eq, %broadcast_in_dim3A_177, %eq3A_233 : vector<32x1xi32>
    %slice3A_235 = vector.extract_strided_slice %get3A_3 {offsets = [2, 0], sizes = [1, 32], strides = [1, 1]} : vector<24x32xf32> to vector<1x32xf32>
    %broadcast_in_dim3A_236 = vector.shape_cast %eq3A_234 : vector<32x1xi1> to vector<32x1xi1>
    %broadcast_in_dim3A_237 = vector.broadcast %broadcast_in_dim3A_236 : vector<32x1xi1> to vector<32x32xi1>
    %broadcast_in_dim3A_238 = vector.shape_cast %slice3A_235 : vector<1x32xf32> to vector<1x32xf32>
    %broadcast_in_dim3A_239 = vector.broadcast %broadcast_in_dim3A_238 : vector<1x32xf32> to vector<32x32xf32>
    %select_n3A_240 = arith.select %broadcast_in_dim3A_237, %broadcast_in_dim3A_239, %select_n3A_222 : vector<32x32xi1>, vector<32x32xf32>
    %eq3A_241 = arith.constant 2 : i32
    %eq3A_242 = vector.broadcast %eq3A_241 : i32 to vector<32x1xi32>
    %eq3A_243 = arith.cmpi eq, %broadcast_in_dim3A_177, %eq3A_242 : vector<32x1xi32>
    %slice3A_244 = vector.extract_strided_slice %get3A_8 {offsets = [2, 0], sizes = [1, 32], strides = [1, 1]} : vector<24x32xi32> to vector<1x32xi32>
    %broadcast_in_dim3A_245 = vector.shape_cast %eq3A_243 : vector<32x1xi1> to vector<32x1xi1>
    %broadcast_in_dim3A_246 = vector.broadcast %broadcast_in_dim3A_245 : vector<32x1xi1> to vector<32x32xi1>
    %broadcast_in_dim3A_247 = vector.shape_cast %slice3A_244 : vector<1x32xi32> to vector<1x32xi32>
    %broadcast_in_dim3A_248 = vector.broadcast %broadcast_in_dim3A_247 : vector<1x32xi32> to vector<32x32xi32>
    %select_n3A_249 = arith.select %broadcast_in_dim3A_246, %broadcast_in_dim3A_248, %select_n3A_231 : vector<32x32xi1>, vector<32x32xi32>
    %eq3A_250 = arith.constant 3 : i32
    %eq3A_251 = vector.broadcast %eq3A_250 : i32 to vector<32x1xi32>
    %eq3A_252 = arith.cmpi eq, %broadcast_in_dim3A_177, %eq3A_251 : vector<32x1xi32>
    %slice3A_253 = vector.extract_strided_slice %get3A_3 {offsets = [3, 0], sizes = [1, 32], strides = [1, 1]} : vector<24x32xf32> to vector<1x32xf32>
    %broadcast_in_dim3A_254 = vector.shape_cast %eq3A_252 : vector<32x1xi1> to vector<32x1xi1>
    %broadcast_in_dim3A_255 = vector.broadcast %broadcast_in_dim3A_254 : vector<32x1xi1> to vector<32x32xi1>
    %broadcast_in_dim3A_256 = vector.shape_cast %slice3A_253 : vector<1x32xf32> to vector<1x32xf32>
    %broadcast_in_dim3A_257 = vector.broadcast %broadcast_in_dim3A_256 : vector<1x32xf32> to vector<32x32xf32>
    %select_n3A_258 = arith.select %broadcast_in_dim3A_255, %broadcast_in_dim3A_257, %select_n3A_240 : vector<32x32xi1>, vector<32x32xf32>
    %eq3A_259 = arith.constant 3 : i32
    %eq3A_260 = vector.broadcast %eq3A_259 : i32 to vector<32x1xi32>
    %eq3A_261 = arith.cmpi eq, %broadcast_in_dim3A_177, %eq3A_260 : vector<32x1xi32>
    %slice3A_262 = vector.extract_strided_slice %get3A_8 {offsets = [3, 0], sizes = [1, 32], strides = [1, 1]} : vector<24x32xi32> to vector<1x32xi32>
    %broadcast_in_dim3A_263 = vector.shape_cast %eq3A_261 : vector<32x1xi1> to vector<32x1xi1>
    %broadcast_in_dim3A_264 = vector.broadcast %broadcast_in_dim3A_263 : vector<32x1xi1> to vector<32x32xi1>
    %broadcast_in_dim3A_265 = vector.shape_cast %slice3A_262 : vector<1x32xi32> to vector<1x32xi32>
    %broadcast_in_dim3A_266 = vector.broadcast %broadcast_in_dim3A_265 : vector<1x32xi32> to vector<32x32xi32>
    %select_n3A_267 = arith.select %broadcast_in_dim3A_264, %broadcast_in_dim3A_266, %select_n3A_249 : vector<32x32xi1>, vector<32x32xi32>
    %eq3A_268 = arith.constant 4 : i32
    %eq3A_269 = vector.broadcast %eq3A_268 : i32 to vector<32x1xi32>
    %eq3A_270 = arith.cmpi eq, %broadcast_in_dim3A_177, %eq3A_269 : vector<32x1xi32>
    %slice3A_271 = vector.extract_strided_slice %get3A_3 {offsets = [4, 0], sizes = [1, 32], strides = [1, 1]} : vector<24x32xf32> to vector<1x32xf32>
    %broadcast_in_dim3A_272 = vector.shape_cast %eq3A_270 : vector<32x1xi1> to vector<32x1xi1>
    %broadcast_in_dim3A_273 = vector.broadcast %broadcast_in_dim3A_272 : vector<32x1xi1> to vector<32x32xi1>
    %broadcast_in_dim3A_274 = vector.shape_cast %slice3A_271 : vector<1x32xf32> to vector<1x32xf32>
    %broadcast_in_dim3A_275 = vector.broadcast %broadcast_in_dim3A_274 : vector<1x32xf32> to vector<32x32xf32>
    %select_n3A_276 = arith.select %broadcast_in_dim3A_273, %broadcast_in_dim3A_275, %select_n3A_258 : vector<32x32xi1>, vector<32x32xf32>
    %eq3A_277 = arith.constant 4 : i32
    %eq3A_278 = vector.broadcast %eq3A_277 : i32 to vector<32x1xi32>
    %eq3A_279 = arith.cmpi eq, %broadcast_in_dim3A_177, %eq3A_278 : vector<32x1xi32>
    %slice3A_280 = vector.extract_strided_slice %get3A_8 {offsets = [4, 0], sizes = [1, 32], strides = [1, 1]} : vector<24x32xi32> to vector<1x32xi32>
    %broadcast_in_dim3A_281 = vector.shape_cast %eq3A_279 : vector<32x1xi1> to vector<32x1xi1>
    %broadcast_in_dim3A_282 = vector.broadcast %broadcast_in_dim3A_281 : vector<32x1xi1> to vector<32x32xi1>
    %broadcast_in_dim3A_283 = vector.shape_cast %slice3A_280 : vector<1x32xi32> to vector<1x32xi32>
    %broadcast_in_dim3A_284 = vector.broadcast %broadcast_in_dim3A_283 : vector<1x32xi32> to vector<32x32xi32>
    %select_n3A_285 = arith.select %broadcast_in_dim3A_282, %broadcast_in_dim3A_284, %select_n3A_267 : vector<32x32xi1>, vector<32x32xi32>
    %eq3A_286 = arith.constant 5 : i32
    %eq3A_287 = vector.broadcast %eq3A_286 : i32 to vector<32x1xi32>
    %eq3A_288 = arith.cmpi eq, %broadcast_in_dim3A_177, %eq3A_287 : vector<32x1xi32>
    %slice3A_289 = vector.extract_strided_slice %get3A_3 {offsets = [5, 0], sizes = [1, 32], strides = [1, 1]} : vector<24x32xf32> to vector<1x32xf32>
    %broadcast_in_dim3A_290 = vector.shape_cast %eq3A_288 : vector<32x1xi1> to vector<32x1xi1>
    %broadcast_in_dim3A_291 = vector.broadcast %broadcast_in_dim3A_290 : vector<32x1xi1> to vector<32x32xi1>
    %broadcast_in_dim3A_292 = vector.shape_cast %slice3A_289 : vector<1x32xf32> to vector<1x32xf32>
    %broadcast_in_dim3A_293 = vector.broadcast %broadcast_in_dim3A_292 : vector<1x32xf32> to vector<32x32xf32>
    %select_n3A_294 = arith.select %broadcast_in_dim3A_291, %broadcast_in_dim3A_293, %select_n3A_276 : vector<32x32xi1>, vector<32x32xf32>
    %eq3A_295 = arith.constant 5 : i32
    %eq3A_296 = vector.broadcast %eq3A_295 : i32 to vector<32x1xi32>
    %eq3A_297 = arith.cmpi eq, %broadcast_in_dim3A_177, %eq3A_296 : vector<32x1xi32>
    %slice3A_298 = vector.extract_strided_slice %get3A_8 {offsets = [5, 0], sizes = [1, 32], strides = [1, 1]} : vector<24x32xi32> to vector<1x32xi32>
    %broadcast_in_dim3A_299 = vector.shape_cast %eq3A_297 : vector<32x1xi1> to vector<32x1xi1>
    %broadcast_in_dim3A_300 = vector.broadcast %broadcast_in_dim3A_299 : vector<32x1xi1> to vector<32x32xi1>
    %broadcast_in_dim3A_301 = vector.shape_cast %slice3A_298 : vector<1x32xi32> to vector<1x32xi32>
    %broadcast_in_dim3A_302 = vector.broadcast %broadcast_in_dim3A_301 : vector<1x32xi32> to vector<32x32xi32>
    %select_n3A_303 = arith.select %broadcast_in_dim3A_300, %broadcast_in_dim3A_302, %select_n3A_285 : vector<32x32xi1>, vector<32x32xi32>
    %eq3A_304 = arith.constant 6 : i32
    %eq3A_305 = vector.broadcast %eq3A_304 : i32 to vector<32x1xi32>
    %eq3A_306 = arith.cmpi eq, %broadcast_in_dim3A_177, %eq3A_305 : vector<32x1xi32>
    %slice3A_307 = vector.extract_strided_slice %get3A_3 {offsets = [6, 0], sizes = [1, 32], strides = [1, 1]} : vector<24x32xf32> to vector<1x32xf32>
    %broadcast_in_dim3A_308 = vector.shape_cast %eq3A_306 : vector<32x1xi1> to vector<32x1xi1>
    %broadcast_in_dim3A_309 = vector.broadcast %broadcast_in_dim3A_308 : vector<32x1xi1> to vector<32x32xi1>
    %broadcast_in_dim3A_310 = vector.shape_cast %slice3A_307 : vector<1x32xf32> to vector<1x32xf32>
    %broadcast_in_dim3A_311 = vector.broadcast %broadcast_in_dim3A_310 : vector<1x32xf32> to vector<32x32xf32>
    %select_n3A_312 = arith.select %broadcast_in_dim3A_309, %broadcast_in_dim3A_311, %select_n3A_294 : vector<32x32xi1>, vector<32x32xf32>
    %eq3A_313 = arith.constant 6 : i32
    %eq3A_314 = vector.broadcast %eq3A_313 : i32 to vector<32x1xi32>
    %eq3A_315 = arith.cmpi eq, %broadcast_in_dim3A_177, %eq3A_314 : vector<32x1xi32>
    %slice3A_316 = vector.extract_strided_slice %get3A_8 {offsets = [6, 0], sizes = [1, 32], strides = [1, 1]} : vector<24x32xi32> to vector<1x32xi32>
    %broadcast_in_dim3A_317 = vector.shape_cast %eq3A_315 : vector<32x1xi1> to vector<32x1xi1>
    %broadcast_in_dim3A_318 = vector.broadcast %broadcast_in_dim3A_317 : vector<32x1xi1> to vector<32x32xi1>
    %broadcast_in_dim3A_319 = vector.shape_cast %slice3A_316 : vector<1x32xi32> to vector<1x32xi32>
    %broadcast_in_dim3A_320 = vector.broadcast %broadcast_in_dim3A_319 : vector<1x32xi32> to vector<32x32xi32>
    %select_n3A_321 = arith.select %broadcast_in_dim3A_318, %broadcast_in_dim3A_320, %select_n3A_303 : vector<32x32xi1>, vector<32x32xi32>
    %eq3A_322 = arith.constant 7 : i32
    %eq3A_323 = vector.broadcast %eq3A_322 : i32 to vector<32x1xi32>
    %eq3A_324 = arith.cmpi eq, %broadcast_in_dim3A_177, %eq3A_323 : vector<32x1xi32>
    %slice3A_325 = vector.extract_strided_slice %get3A_3 {offsets = [7, 0], sizes = [1, 32], strides = [1, 1]} : vector<24x32xf32> to vector<1x32xf32>
    %broadcast_in_dim3A_326 = vector.shape_cast %eq3A_324 : vector<32x1xi1> to vector<32x1xi1>
    %broadcast_in_dim3A_327 = vector.broadcast %broadcast_in_dim3A_326 : vector<32x1xi1> to vector<32x32xi1>
    %broadcast_in_dim3A_328 = vector.shape_cast %slice3A_325 : vector<1x32xf32> to vector<1x32xf32>
    %broadcast_in_dim3A_329 = vector.broadcast %broadcast_in_dim3A_328 : vector<1x32xf32> to vector<32x32xf32>
    %select_n3A_330 = arith.select %broadcast_in_dim3A_327, %broadcast_in_dim3A_329, %select_n3A_312 : vector<32x32xi1>, vector<32x32xf32>
    %eq3A_331 = arith.constant 7 : i32
    %eq3A_332 = vector.broadcast %eq3A_331 : i32 to vector<32x1xi32>
    %eq3A_333 = arith.cmpi eq, %broadcast_in_dim3A_177, %eq3A_332 : vector<32x1xi32>
    %slice3A_334 = vector.extract_strided_slice %get3A_8 {offsets = [7, 0], sizes = [1, 32], strides = [1, 1]} : vector<24x32xi32> to vector<1x32xi32>
    %broadcast_in_dim3A_335 = vector.shape_cast %eq3A_333 : vector<32x1xi1> to vector<32x1xi1>
    %broadcast_in_dim3A_336 = vector.broadcast %broadcast_in_dim3A_335 : vector<32x1xi1> to vector<32x32xi1>
    %broadcast_in_dim3A_337 = vector.shape_cast %slice3A_334 : vector<1x32xi32> to vector<1x32xi32>
    %broadcast_in_dim3A_338 = vector.broadcast %broadcast_in_dim3A_337 : vector<1x32xi32> to vector<32x32xi32>
    %select_n3A_339 = arith.select %broadcast_in_dim3A_336, %broadcast_in_dim3A_338, %select_n3A_321 : vector<32x32xi1>, vector<32x32xi32>
    %eq3A_340 = arith.constant 8 : i32
    %eq3A_341 = vector.broadcast %eq3A_340 : i32 to vector<32x1xi32>
    %eq3A_342 = arith.cmpi eq, %broadcast_in_dim3A_177, %eq3A_341 : vector<32x1xi32>
    %slice3A_343 = vector.extract_strided_slice %get3A_3 {offsets = [8, 0], sizes = [1, 32], strides = [1, 1]} : vector<24x32xf32> to vector<1x32xf32>
    %broadcast_in_dim3A_344 = vector.shape_cast %eq3A_342 : vector<32x1xi1> to vector<32x1xi1>
    %broadcast_in_dim3A_345 = vector.broadcast %broadcast_in_dim3A_344 : vector<32x1xi1> to vector<32x32xi1>
    %broadcast_in_dim3A_346 = vector.shape_cast %slice3A_343 : vector<1x32xf32> to vector<1x32xf32>
    %broadcast_in_dim3A_347 = vector.broadcast %broadcast_in_dim3A_346 : vector<1x32xf32> to vector<32x32xf32>
    %select_n3A_348 = arith.select %broadcast_in_dim3A_345, %broadcast_in_dim3A_347, %select_n3A_330 : vector<32x32xi1>, vector<32x32xf32>
    %eq3A_349 = arith.constant 8 : i32
    %eq3A_350 = vector.broadcast %eq3A_349 : i32 to vector<32x1xi32>
    %eq3A_351 = arith.cmpi eq, %broadcast_in_dim3A_177, %eq3A_350 : vector<32x1xi32>
    %slice3A_352 = vector.extract_strided_slice %get3A_8 {offsets = [8, 0], sizes = [1, 32], strides = [1, 1]} : vector<24x32xi32> to vector<1x32xi32>
    %broadcast_in_dim3A_353 = vector.shape_cast %eq3A_351 : vector<32x1xi1> to vector<32x1xi1>
    %broadcast_in_dim3A_354 = vector.broadcast %broadcast_in_dim3A_353 : vector<32x1xi1> to vector<32x32xi1>
    %broadcast_in_dim3A_355 = vector.shape_cast %slice3A_352 : vector<1x32xi32> to vector<1x32xi32>
    %broadcast_in_dim3A_356 = vector.broadcast %broadcast_in_dim3A_355 : vector<1x32xi32> to vector<32x32xi32>
    %select_n3A_357 = arith.select %broadcast_in_dim3A_354, %broadcast_in_dim3A_356, %select_n3A_339 : vector<32x32xi1>, vector<32x32xi32>
    %eq3A_358 = arith.constant 9 : i32
    %eq3A_359 = vector.broadcast %eq3A_358 : i32 to vector<32x1xi32>
    %eq3A_360 = arith.cmpi eq, %broadcast_in_dim3A_177, %eq3A_359 : vector<32x1xi32>
    %slice3A_361 = vector.extract_strided_slice %get3A_3 {offsets = [9, 0], sizes = [1, 32], strides = [1, 1]} : vector<24x32xf32> to vector<1x32xf32>
    %broadcast_in_dim3A_362 = vector.shape_cast %eq3A_360 : vector<32x1xi1> to vector<32x1xi1>
    %broadcast_in_dim3A_363 = vector.broadcast %broadcast_in_dim3A_362 : vector<32x1xi1> to vector<32x32xi1>
    %broadcast_in_dim3A_364 = vector.shape_cast %slice3A_361 : vector<1x32xf32> to vector<1x32xf32>
    %broadcast_in_dim3A_365 = vector.broadcast %broadcast_in_dim3A_364 : vector<1x32xf32> to vector<32x32xf32>
    %select_n3A_366 = arith.select %broadcast_in_dim3A_363, %broadcast_in_dim3A_365, %select_n3A_348 : vector<32x32xi1>, vector<32x32xf32>
    %eq3A_367 = arith.constant 9 : i32
    %eq3A_368 = vector.broadcast %eq3A_367 : i32 to vector<32x1xi32>
    %eq3A_369 = arith.cmpi eq, %broadcast_in_dim3A_177, %eq3A_368 : vector<32x1xi32>
    %slice3A_370 = vector.extract_strided_slice %get3A_8 {offsets = [9, 0], sizes = [1, 32], strides = [1, 1]} : vector<24x32xi32> to vector<1x32xi32>
    %broadcast_in_dim3A_371 = vector.shape_cast %eq3A_369 : vector<32x1xi1> to vector<32x1xi1>
    %broadcast_in_dim3A_372 = vector.broadcast %broadcast_in_dim3A_371 : vector<32x1xi1> to vector<32x32xi1>
    %broadcast_in_dim3A_373 = vector.shape_cast %slice3A_370 : vector<1x32xi32> to vector<1x32xi32>
    %broadcast_in_dim3A_374 = vector.broadcast %broadcast_in_dim3A_373 : vector<1x32xi32> to vector<32x32xi32>
    %select_n3A_375 = arith.select %broadcast_in_dim3A_372, %broadcast_in_dim3A_374, %select_n3A_357 : vector<32x32xi1>, vector<32x32xi32>
    %eq3A_376 = arith.constant 10 : i32
    %eq3A_377 = vector.broadcast %eq3A_376 : i32 to vector<32x1xi32>
    %eq3A_378 = arith.cmpi eq, %broadcast_in_dim3A_177, %eq3A_377 : vector<32x1xi32>
    %slice3A_379 = vector.extract_strided_slice %get3A_3 {offsets = [10, 0], sizes = [1, 32], strides = [1, 1]} : vector<24x32xf32> to vector<1x32xf32>
    %broadcast_in_dim3A_380 = vector.shape_cast %eq3A_378 : vector<32x1xi1> to vector<32x1xi1>
    %broadcast_in_dim3A_381 = vector.broadcast %broadcast_in_dim3A_380 : vector<32x1xi1> to vector<32x32xi1>
    %broadcast_in_dim3A_382 = vector.shape_cast %slice3A_379 : vector<1x32xf32> to vector<1x32xf32>
    %broadcast_in_dim3A_383 = vector.broadcast %broadcast_in_dim3A_382 : vector<1x32xf32> to vector<32x32xf32>
    %select_n3A_384 = arith.select %broadcast_in_dim3A_381, %broadcast_in_dim3A_383, %select_n3A_366 : vector<32x32xi1>, vector<32x32xf32>
    %eq3A_385 = arith.constant 10 : i32
    %eq3A_386 = vector.broadcast %eq3A_385 : i32 to vector<32x1xi32>
    %eq3A_387 = arith.cmpi eq, %broadcast_in_dim3A_177, %eq3A_386 : vector<32x1xi32>
    %slice3A_388 = vector.extract_strided_slice %get3A_8 {offsets = [10, 0], sizes = [1, 32], strides = [1, 1]} : vector<24x32xi32> to vector<1x32xi32>
    %broadcast_in_dim3A_389 = vector.shape_cast %eq3A_387 : vector<32x1xi1> to vector<32x1xi1>
    %broadcast_in_dim3A_390 = vector.broadcast %broadcast_in_dim3A_389 : vector<32x1xi1> to vector<32x32xi1>
    %broadcast_in_dim3A_391 = vector.shape_cast %slice3A_388 : vector<1x32xi32> to vector<1x32xi32>
    %broadcast_in_dim3A_392 = vector.broadcast %broadcast_in_dim3A_391 : vector<1x32xi32> to vector<32x32xi32>
    %select_n3A_393 = arith.select %broadcast_in_dim3A_390, %broadcast_in_dim3A_392, %select_n3A_375 : vector<32x32xi1>, vector<32x32xi32>
    %eq3A_394 = arith.constant 11 : i32
    %eq3A_395 = vector.broadcast %eq3A_394 : i32 to vector<32x1xi32>
    %eq3A_396 = arith.cmpi eq, %broadcast_in_dim3A_177, %eq3A_395 : vector<32x1xi32>
    %slice3A_397 = vector.extract_strided_slice %get3A_3 {offsets = [11, 0], sizes = [1, 32], strides = [1, 1]} : vector<24x32xf32> to vector<1x32xf32>
    %broadcast_in_dim3A_398 = vector.shape_cast %eq3A_396 : vector<32x1xi1> to vector<32x1xi1>
    %broadcast_in_dim3A_399 = vector.broadcast %broadcast_in_dim3A_398 : vector<32x1xi1> to vector<32x32xi1>
    %broadcast_in_dim3A_400 = vector.shape_cast %slice3A_397 : vector<1x32xf32> to vector<1x32xf32>
    %broadcast_in_dim3A_401 = vector.broadcast %broadcast_in_dim3A_400 : vector<1x32xf32> to vector<32x32xf32>
    %select_n3A_402 = arith.select %broadcast_in_dim3A_399, %broadcast_in_dim3A_401, %select_n3A_384 : vector<32x32xi1>, vector<32x32xf32>
    %eq3A_403 = arith.constant 11 : i32
    %eq3A_404 = vector.broadcast %eq3A_403 : i32 to vector<32x1xi32>
    %eq3A_405 = arith.cmpi eq, %broadcast_in_dim3A_177, %eq3A_404 : vector<32x1xi32>
    %slice3A_406 = vector.extract_strided_slice %get3A_8 {offsets = [11, 0], sizes = [1, 32], strides = [1, 1]} : vector<24x32xi32> to vector<1x32xi32>
    %broadcast_in_dim3A_407 = vector.shape_cast %eq3A_405 : vector<32x1xi1> to vector<32x1xi1>
    %broadcast_in_dim3A_408 = vector.broadcast %broadcast_in_dim3A_407 : vector<32x1xi1> to vector<32x32xi1>
    %broadcast_in_dim3A_409 = vector.shape_cast %slice3A_406 : vector<1x32xi32> to vector<1x32xi32>
    %broadcast_in_dim3A_410 = vector.broadcast %broadcast_in_dim3A_409 : vector<1x32xi32> to vector<32x32xi32>
    %select_n3A_411 = arith.select %broadcast_in_dim3A_408, %broadcast_in_dim3A_410, %select_n3A_393 : vector<32x32xi1>, vector<32x32xi32>
    %eq3A_412 = arith.constant 12 : i32
    %eq3A_413 = vector.broadcast %eq3A_412 : i32 to vector<32x1xi32>
    %eq3A_414 = arith.cmpi eq, %broadcast_in_dim3A_177, %eq3A_413 : vector<32x1xi32>
    %slice3A_415 = vector.extract_strided_slice %get3A_3 {offsets = [12, 0], sizes = [1, 32], strides = [1, 1]} : vector<24x32xf32> to vector<1x32xf32>
    %broadcast_in_dim3A_416 = vector.shape_cast %eq3A_414 : vector<32x1xi1> to vector<32x1xi1>
    %broadcast_in_dim3A_417 = vector.broadcast %broadcast_in_dim3A_416 : vector<32x1xi1> to vector<32x32xi1>
    %broadcast_in_dim3A_418 = vector.shape_cast %slice3A_415 : vector<1x32xf32> to vector<1x32xf32>
    %broadcast_in_dim3A_419 = vector.broadcast %broadcast_in_dim3A_418 : vector<1x32xf32> to vector<32x32xf32>
    %select_n3A_420 = arith.select %broadcast_in_dim3A_417, %broadcast_in_dim3A_419, %select_n3A_402 : vector<32x32xi1>, vector<32x32xf32>
    %eq3A_421 = arith.constant 12 : i32
    %eq3A_422 = vector.broadcast %eq3A_421 : i32 to vector<32x1xi32>
    %eq3A_423 = arith.cmpi eq, %broadcast_in_dim3A_177, %eq3A_422 : vector<32x1xi32>
    %slice3A_424 = vector.extract_strided_slice %get3A_8 {offsets = [12, 0], sizes = [1, 32], strides = [1, 1]} : vector<24x32xi32> to vector<1x32xi32>
    %broadcast_in_dim3A_425 = vector.shape_cast %eq3A_423 : vector<32x1xi1> to vector<32x1xi1>
    %broadcast_in_dim3A_426 = vector.broadcast %broadcast_in_dim3A_425 : vector<32x1xi1> to vector<32x32xi1>
    %broadcast_in_dim3A_427 = vector.shape_cast %slice3A_424 : vector<1x32xi32> to vector<1x32xi32>
    %broadcast_in_dim3A_428 = vector.broadcast %broadcast_in_dim3A_427 : vector<1x32xi32> to vector<32x32xi32>
    %select_n3A_429 = arith.select %broadcast_in_dim3A_426, %broadcast_in_dim3A_428, %select_n3A_411 : vector<32x32xi1>, vector<32x32xi32>
    %eq3A_430 = arith.constant 13 : i32
    %eq3A_431 = vector.broadcast %eq3A_430 : i32 to vector<32x1xi32>
    %eq3A_432 = arith.cmpi eq, %broadcast_in_dim3A_177, %eq3A_431 : vector<32x1xi32>
    %slice3A_433 = vector.extract_strided_slice %get3A_3 {offsets = [13, 0], sizes = [1, 32], strides = [1, 1]} : vector<24x32xf32> to vector<1x32xf32>
    %broadcast_in_dim3A_434 = vector.shape_cast %eq3A_432 : vector<32x1xi1> to vector<32x1xi1>
    %broadcast_in_dim3A_435 = vector.broadcast %broadcast_in_dim3A_434 : vector<32x1xi1> to vector<32x32xi1>
    %broadcast_in_dim3A_436 = vector.shape_cast %slice3A_433 : vector<1x32xf32> to vector<1x32xf32>
    %broadcast_in_dim3A_437 = vector.broadcast %broadcast_in_dim3A_436 : vector<1x32xf32> to vector<32x32xf32>
    %select_n3A_438 = arith.select %broadcast_in_dim3A_435, %broadcast_in_dim3A_437, %select_n3A_420 : vector<32x32xi1>, vector<32x32xf32>
    %eq3A_439 = arith.constant 13 : i32
    %eq3A_440 = vector.broadcast %eq3A_439 : i32 to vector<32x1xi32>
    %eq3A_441 = arith.cmpi eq, %broadcast_in_dim3A_177, %eq3A_440 : vector<32x1xi32>
    %slice3A_442 = vector.extract_strided_slice %get3A_8 {offsets = [13, 0], sizes = [1, 32], strides = [1, 1]} : vector<24x32xi32> to vector<1x32xi32>
    %broadcast_in_dim3A_443 = vector.shape_cast %eq3A_441 : vector<32x1xi1> to vector<32x1xi1>
    %broadcast_in_dim3A_444 = vector.broadcast %broadcast_in_dim3A_443 : vector<32x1xi1> to vector<32x32xi1>
    %broadcast_in_dim3A_445 = vector.shape_cast %slice3A_442 : vector<1x32xi32> to vector<1x32xi32>
    %broadcast_in_dim3A_446 = vector.broadcast %broadcast_in_dim3A_445 : vector<1x32xi32> to vector<32x32xi32>
    %select_n3A_447 = arith.select %broadcast_in_dim3A_444, %broadcast_in_dim3A_446, %select_n3A_429 : vector<32x32xi1>, vector<32x32xi32>
    %eq3A_448 = arith.constant 14 : i32
    %eq3A_449 = vector.broadcast %eq3A_448 : i32 to vector<32x1xi32>
    %eq3A_450 = arith.cmpi eq, %broadcast_in_dim3A_177, %eq3A_449 : vector<32x1xi32>
    %slice3A_451 = vector.extract_strided_slice %get3A_3 {offsets = [14, 0], sizes = [1, 32], strides = [1, 1]} : vector<24x32xf32> to vector<1x32xf32>
    %broadcast_in_dim3A_452 = vector.shape_cast %eq3A_450 : vector<32x1xi1> to vector<32x1xi1>
    %broadcast_in_dim3A_453 = vector.broadcast %broadcast_in_dim3A_452 : vector<32x1xi1> to vector<32x32xi1>
    %broadcast_in_dim3A_454 = vector.shape_cast %slice3A_451 : vector<1x32xf32> to vector<1x32xf32>
    %broadcast_in_dim3A_455 = vector.broadcast %broadcast_in_dim3A_454 : vector<1x32xf32> to vector<32x32xf32>
    %select_n3A_456 = arith.select %broadcast_in_dim3A_453, %broadcast_in_dim3A_455, %select_n3A_438 : vector<32x32xi1>, vector<32x32xf32>
    %eq3A_457 = arith.constant 14 : i32
    %eq3A_458 = vector.broadcast %eq3A_457 : i32 to vector<32x1xi32>
    %eq3A_459 = arith.cmpi eq, %broadcast_in_dim3A_177, %eq3A_458 : vector<32x1xi32>
    %slice3A_460 = vector.extract_strided_slice %get3A_8 {offsets = [14, 0], sizes = [1, 32], strides = [1, 1]} : vector<24x32xi32> to vector<1x32xi32>
    %broadcast_in_dim3A_461 = vector.shape_cast %eq3A_459 : vector<32x1xi1> to vector<32x1xi1>
    %broadcast_in_dim3A_462 = vector.broadcast %broadcast_in_dim3A_461 : vector<32x1xi1> to vector<32x32xi1>
    %broadcast_in_dim3A_463 = vector.shape_cast %slice3A_460 : vector<1x32xi32> to vector<1x32xi32>
    %broadcast_in_dim3A_464 = vector.broadcast %broadcast_in_dim3A_463 : vector<1x32xi32> to vector<32x32xi32>
    %select_n3A_465 = arith.select %broadcast_in_dim3A_462, %broadcast_in_dim3A_464, %select_n3A_447 : vector<32x32xi1>, vector<32x32xi32>
    %eq3A_466 = arith.constant 15 : i32
    %eq3A_467 = vector.broadcast %eq3A_466 : i32 to vector<32x1xi32>
    %eq3A_468 = arith.cmpi eq, %broadcast_in_dim3A_177, %eq3A_467 : vector<32x1xi32>
    %slice3A_469 = vector.extract_strided_slice %get3A_3 {offsets = [15, 0], sizes = [1, 32], strides = [1, 1]} : vector<24x32xf32> to vector<1x32xf32>
    %broadcast_in_dim3A_470 = vector.shape_cast %eq3A_468 : vector<32x1xi1> to vector<32x1xi1>
    %broadcast_in_dim3A_471 = vector.broadcast %broadcast_in_dim3A_470 : vector<32x1xi1> to vector<32x32xi1>
    %broadcast_in_dim3A_472 = vector.shape_cast %slice3A_469 : vector<1x32xf32> to vector<1x32xf32>
    %broadcast_in_dim3A_473 = vector.broadcast %broadcast_in_dim3A_472 : vector<1x32xf32> to vector<32x32xf32>
    %select_n3A_474 = arith.select %broadcast_in_dim3A_471, %broadcast_in_dim3A_473, %select_n3A_456 : vector<32x32xi1>, vector<32x32xf32>
    %eq3A_475 = arith.constant 15 : i32
    %eq3A_476 = vector.broadcast %eq3A_475 : i32 to vector<32x1xi32>
    %eq3A_477 = arith.cmpi eq, %broadcast_in_dim3A_177, %eq3A_476 : vector<32x1xi32>
    %slice3A_478 = vector.extract_strided_slice %get3A_8 {offsets = [15, 0], sizes = [1, 32], strides = [1, 1]} : vector<24x32xi32> to vector<1x32xi32>
    %broadcast_in_dim3A_479 = vector.shape_cast %eq3A_477 : vector<32x1xi1> to vector<32x1xi1>
    %broadcast_in_dim3A_480 = vector.broadcast %broadcast_in_dim3A_479 : vector<32x1xi1> to vector<32x32xi1>
    %broadcast_in_dim3A_481 = vector.shape_cast %slice3A_478 : vector<1x32xi32> to vector<1x32xi32>
    %broadcast_in_dim3A_482 = vector.broadcast %broadcast_in_dim3A_481 : vector<1x32xi32> to vector<32x32xi32>
    %select_n3A_483 = arith.select %broadcast_in_dim3A_480, %broadcast_in_dim3A_482, %select_n3A_465 : vector<32x32xi1>, vector<32x32xi32>
    %eq3A_484 = arith.constant 16 : i32
    %eq3A_485 = vector.broadcast %eq3A_484 : i32 to vector<32x1xi32>
    %eq3A_486 = arith.cmpi eq, %broadcast_in_dim3A_177, %eq3A_485 : vector<32x1xi32>
    %slice3A_487 = vector.extract_strided_slice %get3A_3 {offsets = [16, 0], sizes = [1, 32], strides = [1, 1]} : vector<24x32xf32> to vector<1x32xf32>
    %broadcast_in_dim3A_488 = vector.shape_cast %eq3A_486 : vector<32x1xi1> to vector<32x1xi1>
    %broadcast_in_dim3A_489 = vector.broadcast %broadcast_in_dim3A_488 : vector<32x1xi1> to vector<32x32xi1>
    %broadcast_in_dim3A_490 = vector.shape_cast %slice3A_487 : vector<1x32xf32> to vector<1x32xf32>
    %broadcast_in_dim3A_491 = vector.broadcast %broadcast_in_dim3A_490 : vector<1x32xf32> to vector<32x32xf32>
    %select_n3A_492 = arith.select %broadcast_in_dim3A_489, %broadcast_in_dim3A_491, %select_n3A_474 : vector<32x32xi1>, vector<32x32xf32>
    %eq3A_493 = arith.constant 16 : i32
    %eq3A_494 = vector.broadcast %eq3A_493 : i32 to vector<32x1xi32>
    %eq3A_495 = arith.cmpi eq, %broadcast_in_dim3A_177, %eq3A_494 : vector<32x1xi32>
    %slice3A_496 = vector.extract_strided_slice %get3A_8 {offsets = [16, 0], sizes = [1, 32], strides = [1, 1]} : vector<24x32xi32> to vector<1x32xi32>
    %broadcast_in_dim3A_497 = vector.shape_cast %eq3A_495 : vector<32x1xi1> to vector<32x1xi1>
    %broadcast_in_dim3A_498 = vector.broadcast %broadcast_in_dim3A_497 : vector<32x1xi1> to vector<32x32xi1>
    %broadcast_in_dim3A_499 = vector.shape_cast %slice3A_496 : vector<1x32xi32> to vector<1x32xi32>
    %broadcast_in_dim3A_500 = vector.broadcast %broadcast_in_dim3A_499 : vector<1x32xi32> to vector<32x32xi32>
    %select_n3A_501 = arith.select %broadcast_in_dim3A_498, %broadcast_in_dim3A_500, %select_n3A_483 : vector<32x32xi1>, vector<32x32xi32>
    %eq3A_502 = arith.constant 17 : i32
    %eq3A_503 = vector.broadcast %eq3A_502 : i32 to vector<32x1xi32>
    %eq3A_504 = arith.cmpi eq, %broadcast_in_dim3A_177, %eq3A_503 : vector<32x1xi32>
    %slice3A_505 = vector.extract_strided_slice %get3A_3 {offsets = [17, 0], sizes = [1, 32], strides = [1, 1]} : vector<24x32xf32> to vector<1x32xf32>
    %broadcast_in_dim3A_506 = vector.shape_cast %eq3A_504 : vector<32x1xi1> to vector<32x1xi1>
    %broadcast_in_dim3A_507 = vector.broadcast %broadcast_in_dim3A_506 : vector<32x1xi1> to vector<32x32xi1>
    %broadcast_in_dim3A_508 = vector.shape_cast %slice3A_505 : vector<1x32xf32> to vector<1x32xf32>
    %broadcast_in_dim3A_509 = vector.broadcast %broadcast_in_dim3A_508 : vector<1x32xf32> to vector<32x32xf32>
    %select_n3A_510 = arith.select %broadcast_in_dim3A_507, %broadcast_in_dim3A_509, %select_n3A_492 : vector<32x32xi1>, vector<32x32xf32>
    %eq3A_511 = arith.constant 17 : i32
    %eq3A_512 = vector.broadcast %eq3A_511 : i32 to vector<32x1xi32>
    %eq3A_513 = arith.cmpi eq, %broadcast_in_dim3A_177, %eq3A_512 : vector<32x1xi32>
    %slice3A_514 = vector.extract_strided_slice %get3A_8 {offsets = [17, 0], sizes = [1, 32], strides = [1, 1]} : vector<24x32xi32> to vector<1x32xi32>
    %broadcast_in_dim3A_515 = vector.shape_cast %eq3A_513 : vector<32x1xi1> to vector<32x1xi1>
    %broadcast_in_dim3A_516 = vector.broadcast %broadcast_in_dim3A_515 : vector<32x1xi1> to vector<32x32xi1>
    %broadcast_in_dim3A_517 = vector.shape_cast %slice3A_514 : vector<1x32xi32> to vector<1x32xi32>
    %broadcast_in_dim3A_518 = vector.broadcast %broadcast_in_dim3A_517 : vector<1x32xi32> to vector<32x32xi32>
    %select_n3A_519 = arith.select %broadcast_in_dim3A_516, %broadcast_in_dim3A_518, %select_n3A_501 : vector<32x32xi1>, vector<32x32xi32>
    %eq3A_520 = arith.constant 18 : i32
    %eq3A_521 = vector.broadcast %eq3A_520 : i32 to vector<32x1xi32>
    %eq3A_522 = arith.cmpi eq, %broadcast_in_dim3A_177, %eq3A_521 : vector<32x1xi32>
    %slice3A_523 = vector.extract_strided_slice %get3A_3 {offsets = [18, 0], sizes = [1, 32], strides = [1, 1]} : vector<24x32xf32> to vector<1x32xf32>
    %broadcast_in_dim3A_524 = vector.shape_cast %eq3A_522 : vector<32x1xi1> to vector<32x1xi1>
    %broadcast_in_dim3A_525 = vector.broadcast %broadcast_in_dim3A_524 : vector<32x1xi1> to vector<32x32xi1>
    %broadcast_in_dim3A_526 = vector.shape_cast %slice3A_523 : vector<1x32xf32> to vector<1x32xf32>
    %broadcast_in_dim3A_527 = vector.broadcast %broadcast_in_dim3A_526 : vector<1x32xf32> to vector<32x32xf32>
    %select_n3A_528 = arith.select %broadcast_in_dim3A_525, %broadcast_in_dim3A_527, %select_n3A_510 : vector<32x32xi1>, vector<32x32xf32>
    %eq3A_529 = arith.constant 18 : i32
    %eq3A_530 = vector.broadcast %eq3A_529 : i32 to vector<32x1xi32>
    %eq3A_531 = arith.cmpi eq, %broadcast_in_dim3A_177, %eq3A_530 : vector<32x1xi32>
    %slice3A_532 = vector.extract_strided_slice %get3A_8 {offsets = [18, 0], sizes = [1, 32], strides = [1, 1]} : vector<24x32xi32> to vector<1x32xi32>
    %broadcast_in_dim3A_533 = vector.shape_cast %eq3A_531 : vector<32x1xi1> to vector<32x1xi1>
    %broadcast_in_dim3A_534 = vector.broadcast %broadcast_in_dim3A_533 : vector<32x1xi1> to vector<32x32xi1>
    %broadcast_in_dim3A_535 = vector.shape_cast %slice3A_532 : vector<1x32xi32> to vector<1x32xi32>
    %broadcast_in_dim3A_536 = vector.broadcast %broadcast_in_dim3A_535 : vector<1x32xi32> to vector<32x32xi32>
    %select_n3A_537 = arith.select %broadcast_in_dim3A_534, %broadcast_in_dim3A_536, %select_n3A_519 : vector<32x32xi1>, vector<32x32xi32>
    %eq3A_538 = arith.constant 19 : i32
    %eq3A_539 = vector.broadcast %eq3A_538 : i32 to vector<32x1xi32>
    %eq3A_540 = arith.cmpi eq, %broadcast_in_dim3A_177, %eq3A_539 : vector<32x1xi32>
    %slice3A_541 = vector.extract_strided_slice %get3A_3 {offsets = [19, 0], sizes = [1, 32], strides = [1, 1]} : vector<24x32xf32> to vector<1x32xf32>
    %broadcast_in_dim3A_542 = vector.shape_cast %eq3A_540 : vector<32x1xi1> to vector<32x1xi1>
    %broadcast_in_dim3A_543 = vector.broadcast %broadcast_in_dim3A_542 : vector<32x1xi1> to vector<32x32xi1>
    %broadcast_in_dim3A_544 = vector.shape_cast %slice3A_541 : vector<1x32xf32> to vector<1x32xf32>
    %broadcast_in_dim3A_545 = vector.broadcast %broadcast_in_dim3A_544 : vector<1x32xf32> to vector<32x32xf32>
    %select_n3A_546 = arith.select %broadcast_in_dim3A_543, %broadcast_in_dim3A_545, %select_n3A_528 : vector<32x32xi1>, vector<32x32xf32>
    %eq3A_547 = arith.constant 19 : i32
    %eq3A_548 = vector.broadcast %eq3A_547 : i32 to vector<32x1xi32>
    %eq3A_549 = arith.cmpi eq, %broadcast_in_dim3A_177, %eq3A_548 : vector<32x1xi32>
    %slice3A_550 = vector.extract_strided_slice %get3A_8 {offsets = [19, 0], sizes = [1, 32], strides = [1, 1]} : vector<24x32xi32> to vector<1x32xi32>
    %broadcast_in_dim3A_551 = vector.shape_cast %eq3A_549 : vector<32x1xi1> to vector<32x1xi1>
    %broadcast_in_dim3A_552 = vector.broadcast %broadcast_in_dim3A_551 : vector<32x1xi1> to vector<32x32xi1>
    %broadcast_in_dim3A_553 = vector.shape_cast %slice3A_550 : vector<1x32xi32> to vector<1x32xi32>
    %broadcast_in_dim3A_554 = vector.broadcast %broadcast_in_dim3A_553 : vector<1x32xi32> to vector<32x32xi32>
    %select_n3A_555 = arith.select %broadcast_in_dim3A_552, %broadcast_in_dim3A_554, %select_n3A_537 : vector<32x32xi1>, vector<32x32xi32>
    %eq3A_556 = arith.constant 20 : i32
    %eq3A_557 = vector.broadcast %eq3A_556 : i32 to vector<32x1xi32>
    %eq3A_558 = arith.cmpi eq, %broadcast_in_dim3A_177, %eq3A_557 : vector<32x1xi32>
    %slice3A_559 = vector.extract_strided_slice %get3A_3 {offsets = [20, 0], sizes = [1, 32], strides = [1, 1]} : vector<24x32xf32> to vector<1x32xf32>
    %broadcast_in_dim3A_560 = vector.shape_cast %eq3A_558 : vector<32x1xi1> to vector<32x1xi1>
    %broadcast_in_dim3A_561 = vector.broadcast %broadcast_in_dim3A_560 : vector<32x1xi1> to vector<32x32xi1>
    %broadcast_in_dim3A_562 = vector.shape_cast %slice3A_559 : vector<1x32xf32> to vector<1x32xf32>
    %broadcast_in_dim3A_563 = vector.broadcast %broadcast_in_dim3A_562 : vector<1x32xf32> to vector<32x32xf32>
    %select_n3A_564 = arith.select %broadcast_in_dim3A_561, %broadcast_in_dim3A_563, %select_n3A_546 : vector<32x32xi1>, vector<32x32xf32>
    %eq3A_565 = arith.constant 20 : i32
    %eq3A_566 = vector.broadcast %eq3A_565 : i32 to vector<32x1xi32>
    %eq3A_567 = arith.cmpi eq, %broadcast_in_dim3A_177, %eq3A_566 : vector<32x1xi32>
    %slice3A_568 = vector.extract_strided_slice %get3A_8 {offsets = [20, 0], sizes = [1, 32], strides = [1, 1]} : vector<24x32xi32> to vector<1x32xi32>
    %broadcast_in_dim3A_569 = vector.shape_cast %eq3A_567 : vector<32x1xi1> to vector<32x1xi1>
    %broadcast_in_dim3A_570 = vector.broadcast %broadcast_in_dim3A_569 : vector<32x1xi1> to vector<32x32xi1>
    %broadcast_in_dim3A_571 = vector.shape_cast %slice3A_568 : vector<1x32xi32> to vector<1x32xi32>
    %broadcast_in_dim3A_572 = vector.broadcast %broadcast_in_dim3A_571 : vector<1x32xi32> to vector<32x32xi32>
    %select_n3A_573 = arith.select %broadcast_in_dim3A_570, %broadcast_in_dim3A_572, %select_n3A_555 : vector<32x32xi1>, vector<32x32xi32>
    %eq3A_574 = arith.constant 21 : i32
    %eq3A_575 = vector.broadcast %eq3A_574 : i32 to vector<32x1xi32>
    %eq3A_576 = arith.cmpi eq, %broadcast_in_dim3A_177, %eq3A_575 : vector<32x1xi32>
    %slice3A_577 = vector.extract_strided_slice %get3A_3 {offsets = [21, 0], sizes = [1, 32], strides = [1, 1]} : vector<24x32xf32> to vector<1x32xf32>
    %broadcast_in_dim3A_578 = vector.shape_cast %eq3A_576 : vector<32x1xi1> to vector<32x1xi1>
    %broadcast_in_dim3A_579 = vector.broadcast %broadcast_in_dim3A_578 : vector<32x1xi1> to vector<32x32xi1>
    %broadcast_in_dim3A_580 = vector.shape_cast %slice3A_577 : vector<1x32xf32> to vector<1x32xf32>
    %broadcast_in_dim3A_581 = vector.broadcast %broadcast_in_dim3A_580 : vector<1x32xf32> to vector<32x32xf32>
    %select_n3A_582 = arith.select %broadcast_in_dim3A_579, %broadcast_in_dim3A_581, %select_n3A_564 : vector<32x32xi1>, vector<32x32xf32>
    %eq3A_583 = arith.constant 21 : i32
    %eq3A_584 = vector.broadcast %eq3A_583 : i32 to vector<32x1xi32>
    %eq3A_585 = arith.cmpi eq, %broadcast_in_dim3A_177, %eq3A_584 : vector<32x1xi32>
    %slice3A_586 = vector.extract_strided_slice %get3A_8 {offsets = [21, 0], sizes = [1, 32], strides = [1, 1]} : vector<24x32xi32> to vector<1x32xi32>
    %broadcast_in_dim3A_587 = vector.shape_cast %eq3A_585 : vector<32x1xi1> to vector<32x1xi1>
    %broadcast_in_dim3A_588 = vector.broadcast %broadcast_in_dim3A_587 : vector<32x1xi1> to vector<32x32xi1>
    %broadcast_in_dim3A_589 = vector.shape_cast %slice3A_586 : vector<1x32xi32> to vector<1x32xi32>
    %broadcast_in_dim3A_590 = vector.broadcast %broadcast_in_dim3A_589 : vector<1x32xi32> to vector<32x32xi32>
    %select_n3A_591 = arith.select %broadcast_in_dim3A_588, %broadcast_in_dim3A_590, %select_n3A_573 : vector<32x32xi1>, vector<32x32xi32>
    %eq3A_592 = arith.constant 22 : i32
    %eq3A_593 = vector.broadcast %eq3A_592 : i32 to vector<32x1xi32>
    %eq3A_594 = arith.cmpi eq, %broadcast_in_dim3A_177, %eq3A_593 : vector<32x1xi32>
    %slice3A_595 = vector.extract_strided_slice %get3A_3 {offsets = [22, 0], sizes = [1, 32], strides = [1, 1]} : vector<24x32xf32> to vector<1x32xf32>
    %broadcast_in_dim3A_596 = vector.shape_cast %eq3A_594 : vector<32x1xi1> to vector<32x1xi1>
    %broadcast_in_dim3A_597 = vector.broadcast %broadcast_in_dim3A_596 : vector<32x1xi1> to vector<32x32xi1>
    %broadcast_in_dim3A_598 = vector.shape_cast %slice3A_595 : vector<1x32xf32> to vector<1x32xf32>
    %broadcast_in_dim3A_599 = vector.broadcast %broadcast_in_dim3A_598 : vector<1x32xf32> to vector<32x32xf32>
    %select_n3A_600 = arith.select %broadcast_in_dim3A_597, %broadcast_in_dim3A_599, %select_n3A_582 : vector<32x32xi1>, vector<32x32xf32>
    %eq3A_601 = arith.constant 22 : i32
    %eq3A_602 = vector.broadcast %eq3A_601 : i32 to vector<32x1xi32>
    %eq3A_603 = arith.cmpi eq, %broadcast_in_dim3A_177, %eq3A_602 : vector<32x1xi32>
    %slice3A_604 = vector.extract_strided_slice %get3A_8 {offsets = [22, 0], sizes = [1, 32], strides = [1, 1]} : vector<24x32xi32> to vector<1x32xi32>
    %broadcast_in_dim3A_605 = vector.shape_cast %eq3A_603 : vector<32x1xi1> to vector<32x1xi1>
    %broadcast_in_dim3A_606 = vector.broadcast %broadcast_in_dim3A_605 : vector<32x1xi1> to vector<32x32xi1>
    %broadcast_in_dim3A_607 = vector.shape_cast %slice3A_604 : vector<1x32xi32> to vector<1x32xi32>
    %broadcast_in_dim3A_608 = vector.broadcast %broadcast_in_dim3A_607 : vector<1x32xi32> to vector<32x32xi32>
    %select_n3A_609 = arith.select %broadcast_in_dim3A_606, %broadcast_in_dim3A_608, %select_n3A_591 : vector<32x32xi1>, vector<32x32xi32>
    %eq3A_610 = arith.constant 23 : i32
    %eq3A_611 = vector.broadcast %eq3A_610 : i32 to vector<32x1xi32>
    %eq3A_612 = arith.cmpi eq, %broadcast_in_dim3A_177, %eq3A_611 : vector<32x1xi32>
    %slice3A_613 = vector.extract_strided_slice %get3A_3 {offsets = [23, 0], sizes = [1, 32], strides = [1, 1]} : vector<24x32xf32> to vector<1x32xf32>
    %broadcast_in_dim3A_614 = vector.shape_cast %eq3A_612 : vector<32x1xi1> to vector<32x1xi1>
    %broadcast_in_dim3A_615 = vector.broadcast %broadcast_in_dim3A_614 : vector<32x1xi1> to vector<32x32xi1>
    %broadcast_in_dim3A_616 = vector.shape_cast %slice3A_613 : vector<1x32xf32> to vector<1x32xf32>
    %broadcast_in_dim3A_617 = vector.broadcast %broadcast_in_dim3A_616 : vector<1x32xf32> to vector<32x32xf32>
    %select_n3A_618 = arith.select %broadcast_in_dim3A_615, %broadcast_in_dim3A_617, %select_n3A_600 : vector<32x32xi1>, vector<32x32xf32>
    %eq3A_619 = arith.constant 23 : i32
    %eq3A_620 = vector.broadcast %eq3A_619 : i32 to vector<32x1xi32>
    %eq3A_621 = arith.cmpi eq, %broadcast_in_dim3A_177, %eq3A_620 : vector<32x1xi32>
    %slice3A_622 = vector.extract_strided_slice %get3A_8 {offsets = [23, 0], sizes = [1, 32], strides = [1, 1]} : vector<24x32xi32> to vector<1x32xi32>
    %broadcast_in_dim3A_623 = vector.shape_cast %eq3A_621 : vector<32x1xi1> to vector<32x1xi1>
    %broadcast_in_dim3A_624 = vector.broadcast %broadcast_in_dim3A_623 : vector<32x1xi1> to vector<32x32xi1>
    %broadcast_in_dim3A_625 = vector.shape_cast %slice3A_622 : vector<1x32xi32> to vector<1x32xi32>
    %broadcast_in_dim3A_626 = vector.broadcast %broadcast_in_dim3A_625 : vector<1x32xi32> to vector<32x32xi32>
    %select_n3A_627 = arith.select %broadcast_in_dim3A_624, %broadcast_in_dim3A_626, %select_n3A_609 : vector<32x32xi1>, vector<32x32xi32>
    %iota3A_628 = tpu.iota {dimensions = array<i32: 1>} : vector<1x32xi32>
    %eq3A_629 = vector.broadcast %sub3A_191 : vector<32x1xi32> to vector<32x32xi32>
    %eq3A_630 = vector.broadcast %iota3A_628 : vector<1x32xi32> to vector<32x32xi32>
    %eq3A_631 = arith.cmpi eq, %eq3A_629, %eq3A_630 : vector<32x32xi32>
    %jit3A_632 = arith.constant 0.000000e+00 : f32
    %broadcast_in_dim3A_633 = vector.broadcast %jit3A_632 : f32 to vector<32x32xf32>
    %select_n3A_634 = arith.select %eq3A_631, %select_n3A_618, %broadcast_in_dim3A_633 : vector<32x32xi1>, vector<32x32xf32>
    %reduce_sum3A_635 = arith.constant dense<0.000000e+00> : vector<32xf32>
    %reduce_sum3A_636 = vector.multi_reduction <add>, %select_n3A_634, %reduce_sum3A_635 [1] : vector<32x32xf32> to vector<32xf32>
    %broadcast_in_dim3A_637 = vector.shape_cast %reduce_sum3A_636 : vector<32xf32> to vector<32x1xf32>
    %jit3A_638 = arith.constant 0 : i32
    %broadcast_in_dim3A_639 = vector.broadcast %jit3A_638 : i32 to vector<32x32xi32>
    %select_n3A_640 = arith.select %eq3A_631, %select_n3A_627, %broadcast_in_dim3A_639 : vector<32x32xi1>, vector<32x32xi32>
    %reduce_sum3A_641 = arith.constant dense<0> : vector<32xi32>
    %reduce_sum3A_642 = vector.multi_reduction <add>, %select_n3A_640, %reduce_sum3A_641 [1] : vector<32x32xi32> to vector<32xi32>
    %broadcast_in_dim3A_643 = vector.shape_cast %reduce_sum3A_642 : vector<32xi32> to vector<32x1xi32>
    %iota3A_644 = tpu.iota {dimensions = array<i32: 0>} : vector<32x32xi32>
    %iota3A_645 = tpu.iota {dimensions = array<i32: 1>} : vector<32x32xi32>
    %eq3A_646 = arith.cmpi eq, %iota3A_644, %iota3A_645 : vector<32x32xi32>
    %slice3A_647 = vector.extract_strided_slice %get3A_3 {offsets = [22, 0], sizes = [1, 32], strides = [1, 1]} : vector<24x32xf32> to vector<1x32xf32>
    %jit3A_648 = arith.constant 0.000000e+00 : f32
    %broadcast_in_dim3A_649 = vector.shape_cast %slice3A_647 : vector<1x32xf32> to vector<1x32xf32>
    %broadcast_in_dim3A_650 = vector.broadcast %broadcast_in_dim3A_649 : vector<1x32xf32> to vector<32x32xf32>
    %broadcast_in_dim3A_651 = vector.broadcast %jit3A_648 : f32 to vector<32x32xf32>
    %select_n3A_652 = arith.select %eq3A_646, %broadcast_in_dim3A_650, %broadcast_in_dim3A_651 : vector<32x32xi1>, vector<32x32xf32>
    %reduce_sum3A_653 = arith.constant dense<0.000000e+00> : vector<32xf32>
    %reduce_sum3A_654 = vector.multi_reduction <add>, %select_n3A_652, %reduce_sum3A_653 [1] : vector<32x32xf32> to vector<32xf32>
    %broadcast_in_dim3A_655 = vector.shape_cast %reduce_sum3A_654 : vector<32xf32> to vector<32x1xf32>
    %eq3A_656 = arith.cmpi eq, %iota3A_644, %iota3A_645 : vector<32x32xi32>
    %slice3A_657 = vector.extract_strided_slice %get3A_8 {offsets = [22, 0], sizes = [1, 32], strides = [1, 1]} : vector<24x32xi32> to vector<1x32xi32>
    %convert_element_type3A_658 = arith.sitofp %slice3A_657 : vector<1x32xi32> to vector<1x32xf32>
    %jit3A_659 = arith.constant 0.000000e+00 : f32
    %broadcast_in_dim3A_660 = vector.shape_cast %convert_element_type3A_658 : vector<1x32xf32> to vector<1x32xf32>
    %broadcast_in_dim3A_661 = vector.broadcast %broadcast_in_dim3A_660 : vector<1x32xf32> to vector<32x32xf32>
    %broadcast_in_dim3A_662 = vector.broadcast %jit3A_659 : f32 to vector<32x32xf32>
    %select_n3A_663 = arith.select %eq3A_656, %broadcast_in_dim3A_661, %broadcast_in_dim3A_662 : vector<32x32xi1>, vector<32x32xf32>
    %reduce_sum3A_664 = arith.constant dense<0.000000e+00> : vector<32xf32>
    %reduce_sum3A_665 = vector.multi_reduction <add>, %select_n3A_663, %reduce_sum3A_664 [1] : vector<32x32xf32> to vector<32xf32>
    %broadcast_in_dim3A_666 = vector.shape_cast %reduce_sum3A_665 : vector<32xf32> to vector<32x1xf32>
    %convert_element_type3A_667 = arith.fptosi %broadcast_in_dim3A_666 : vector<32x1xf32> to vector<32x1xi32>
    %concatenate3A = tpu.concatenate %broadcast_in_dim3A_655, %broadcast_in_dim3A_637 in 0 : vector<32x1xf32>, vector<32x1xf32> -> vector<64x1xf32>
    %reduce_max3A = vector.shape_cast %concatenate3A : vector<64x1xf32> to vector<1x64x1xf32>
    %reduce_max3A_668 = arith.constant dense<0xFF800000> : vector<1xf32>
    %reduce_max3A_669 = vector.multi_reduction <maximumf>, %reduce_max3A, %reduce_max3A_668 [1, 2] : vector<1x64x1xf32> to vector<1xf32>
    %reduce_max3A_670 = vector.shape_cast %reduce_max3A_669 : vector<1xf32> to vector<1x1x1xf32>
    %reduce_max3A_671 = vector.extract %reduce_max3A_670[0, 0, 0] : f32 from vector<1x1x1xf32>
    %sub3A_672 = vector.broadcast %reduce_max3A_671 : f32 to vector<64x1xf32>
    %sub3A_673 = arith.subf %concatenate3A, %sub3A_672 : vector<64x1xf32>
    %exp3A = math.exp %sub3A_673 : vector<64x1xf32>
    %reduce_sum3A_674 = vector.shape_cast %exp3A : vector<64x1xf32> to vector<1x64x1xf32>
    %reduce_sum3A_675 = arith.constant dense<0.000000e+00> : vector<1xf32>
    %reduce_sum3A_676 = vector.multi_reduction <add>, %reduce_sum3A_674, %reduce_sum3A_675 [1, 2] : vector<1x64x1xf32> to vector<1xf32>
    %reduce_sum3A_677 = vector.shape_cast %reduce_sum3A_676 : vector<1xf32> to vector<1x1x1xf32>
    %reduce_sum3A_678 = vector.extract %reduce_sum3A_677[0, 0, 0] : f32 from vector<1x1x1xf32>
    %div3A_679 = vector.broadcast %reduce_sum3A_678 : f32 to vector<64x1xf32>
    %div3A_680 = arith.divf %exp3A, %div3A_679 : vector<64x1xf32>
    %add3A_681 = arith.constant 12672 : i32
    %add3A_682 = vector.broadcast %add3A_681 : i32 to vector<32x1xi32>
    %add3A_683 = arith.addi %add3A_682, %convert_element_type3A_667 : vector<32x1xi32>
    %mul3A_684 = arith.constant 576 : i32
    %mul3A_685 = vector.broadcast %mul3A_684 : i32 to vector<32x1xi32>
    %mul3A_686 = arith.muli %broadcast_in_dim3A_177, %mul3A_685 : vector<32x1xi32>
    %add3A_687 = arith.addi %mul3A_686, %broadcast_in_dim3A_643 : vector<32x1xi32>
    %concatenate3A_688 = tpu.concatenate %add3A_683, %add3A_687 in 0 : vector<32x1xi32>, vector<32x1xi32> -> vector<64x1xi32>
    %swap3A = arith.constant 0 : index
    %swap3A_689 = arith.constant 0 : index
    %swap3A_690 = vector.load %arg2[%swap3A, %swap3A_689] : memref<64x1xi32, #tpu.memory_space<vmem>>, vector<64x1xi32>
    tpu.vector_store %arg2[%swap3A, %swap3A_689], %concatenate3A_688 {strides = array<i32>} : memref<64x1xi32, #tpu.memory_space<vmem>>, vector<64x1xi32>,
    %swap3A_691 = arith.constant 0 : index
    %swap3A_692 = arith.constant 0 : index
    %swap3A_693 = vector.load %arg3[%swap3A_691, %swap3A_692] : memref<64x1xf32, #tpu.memory_space<vmem>>, vector<64x1xf32>
    tpu.vector_store %arg3[%swap3A_691, %swap3A_692], %div3A_680 {strides = array<i32>} : memref<64x1xf32, #tpu.memory_space<vmem>>, vector<64x1xf32>,
    return
  }
}

module attributes {stable_mosaic.version = 14 : i64} {
  func.func @_wmul_body(%arg0: memref<64x2048xf32, #tpu.memory_space<vmem>>, %arg1: memref<64x1xf32, #tpu.memory_space<vmem>>, %arg2: memref<64x2048xf32, #tpu.memory_space<vmem>>) attributes {dimension_semantics = [], scalar_prefetch = 0 : i64, scratch_operands = 0 : i64, tpu.core_type = #tpu.core_type<tc>} {
    %get3A = arith.constant 0 : index
    %get3A_0 = arith.constant 0 : index
    %get3A_1 = vector.load %arg0[%get3A, %get3A_0] : memref<64x2048xf32, #tpu.memory_space<vmem>>, vector<64x2048xf32>
    %get3A_2 = arith.constant 0 : index
    %get3A_3 = arith.constant 0 : index
    %get3A_4 = vector.load %arg1[%get3A_2, %get3A_3] : memref<64x1xf32, #tpu.memory_space<vmem>>, vector<64x1xf32>
    %mul3A = vector.broadcast %get3A_4 : vector<64x1xf32> to vector<64x2048xf32>
    %mul3A_5 = arith.mulf %get3A_1, %mul3A : vector<64x2048xf32>
    %swap3A = arith.constant 0 : index
    %swap3A_6 = arith.constant 0 : index
    %swap3A_7 = vector.load %arg2[%swap3A, %swap3A_6] : memref<64x2048xf32, #tpu.memory_space<vmem>>, vector<64x2048xf32>
    tpu.vector_store %arg2[%swap3A, %swap3A_6], %mul3A_5 {strides = array<i32>} : memref<64x2048xf32, #tpu.memory_space<vmem>>, vector<64x2048xf32>,
    return
  }
}

</mosaic_0001>

<sc_bundles>
// kernel: kernel.10.cloned.1.call-start
scs
__scs_entry_jumppad:
0x0: {  	(pc) =	sbr.rel $0x88, $3  }
0x1: {  	(tag) =	ssettag $0x0;
	lr =	simm.s32 $0x1  }
0x2: {  	[smem:$0x3F90] =	sst lr;
	_ =	strace $0xD0000000  }
0x3: {  	_ = 	snop  }
0x4: {  	_ = 	snop  }
0x5: {  	_ = 	snop  }
0x6: {  	_ = 	snop  }
0x7: {  	_ = 	snop  }
__scs_overlays_trampoline_lowered:
0x8: {  	[smem:$0x3F9F] =	sst s0  }
0x9: {  	[smem:$0x3FA0] =	sst s1  }
0xa: {  	[smem:$0x3FA1] =	sst s2  }
0xb: {  	[smem:$0x3FA2] =	sst s3  }
0xc: {  	[smem:$0x3FA3] =	sst s4  }
0xd: {  	[smem:$0x3FA4] =	sst s5  }
0xe: {  	[smem:$0x3FA5] =	sst s6  }
0xf: {  	[smem:$0x3FA6] =	sst s7  }
0x10: {  	[smem:$0x3FA7] =	sst s8  }
0x11: {  	[smem:$0x3FA8] =	sst s9;
	s0 =	simm.s32 @!p0 $0x0  }
0x12: {  	s1 =	sld [smem:$0x3F8E];
	s0 =	simm.s32 @p0 $0x1  }
0x13: {  	[smem:$0x3FA9] =	sst s0;
	s0 =	simm.s32 @!p1 $0x0  }
0x14: {  	s2 =	sld [smem:$0x3F8D];
	s0 =	simm.s32 @p1 $0x1  }
0x15: {  	[smem:$0x3FAA] =	sst s0;
	s0 =	simm.s32 @!p2 $0x0  }
0x16: {  	s3 =	sld [smem:$0x3FDB];
	s0 =	simm.s32 @p2 $0x1  }
0x17: {  	s4 =	simm.s32 $0x1BF5;
	[smem:$0x3FAC] =	sst s0  }
0x18: {  	s0 =	sld [smem:$0x3F8F];
	_ =	swait.ge [sflag:s4], $0x0  }
0x19: {  	s7 =	sld [smem:$0x3F90]  }
0x1a: {  	s8 =	sadd.s32 $0xFFFFE003, lr  }
0x1b: {  	s9 =	sadd.s32 $0xFFFFFEF7, lr;
	s5 =	simm.s32 $0xFFFFFFFF;
	p2 =	slt.u32 s8, $0xFFFFF086  }
0x1c: {  	p1 =	slt.u32 s9, $0xF7A;
	s5 =	simm.s32 @!p2 $0x0  }
0x1d: {  	s5 =	simm.s32 @p1 $0x1;
	p0 =	seq.s32 s7, s2  }
0x1e: {  	s7 =	smul.u32 @!p0 $0xF7A, s2;
	p2 =	seq.s32 @!p0 s5, $0x0  }
0x1f: {  	s9 =	smul.u32 $0xF7A, s1;
	s8 =	simm.s32 @!p0 $0x1BF5;
	p2 =	por !p2, p0  }
0x20: {  	[sflag:s8] =	ssyncset.s32 @!p0 $0xFFFFF086;
	s6 =	sadd.s32 @!p0 s3, s7;
	s7 =	simm.s32 @!p0 $0x108  }
0x21: {  	s3 =	sadd.s32 s3, s9;
	s6 =	sadd.s32 @!p0 $0x88, s6;
	s7 =	simm.s32 @p2 $0x1082  }
0x22: {  	[simem:s7], [sflag:s8] =	dma.local @!p0 [hbm:s6], $0xF7A  }
0x23: {  	s9 =	sor.u32 $0xD0000000, s2;
	s6 =	simm.s32 $0x108;
	_ =	swait.ge @!p0 [sflag:s8], $0x0  }
0x24: {  	s3 =	sadd.s32 $0x88, s3;
	s6 =	simm.s32 @!p1 $0x1082;
	[sflag:s4] =	ssyncset.s32 $0xFFFFF086  }
0x25: {  	[simem:s6], [sflag:s4] =	dma.local [hbm:s3], $0xF7A  }
0x26: {  	[smem:$0x3F90] =	sst s1;
	(tag) =	ssettag s2;
	_ =	strace s9  }
0x27: {  	s1 =	sld [smem:$0x3FA0]  }
0x28: {  	s2 =	sld [smem:$0x3FA1]  }
0x29: {  	s4 =	sld [smem:$0x3FA3]  }
0x2a: {  	p0 =	seq.s32 s5, $0x0;
	s5 =	sld [smem:$0x3FA4]  }
0x2b: {  	s6 =	sld [smem:$0x3FA5]  }
0x2c: {  	s7 =	sld [smem:$0x3FA6]  }
0x2d: {  	s3 =	simm.s32 $0x108;
	s8 =	sld [smem:$0x3FA7]  }
0x2e: {  	s3 =	simm.s32 @!p0 $0x1082;
	s9 =	sld [smem:$0x3FA8]  }
0x2f: {  	lr =	sadd.s32 s0, s3;
	s0 =	sld [smem:$0x3F9F]  }
0x30: {  	s3 =	sld [smem:$0x3FA2]  }
0x31: {  	[smem:$0x3FAB] =	sst s10  }
0x32: {  	s10 =	sld [smem:$0x3FA9];
	_ =	sdelay $0x3  }
0x33: {  	p0 =	seq.s32 s10, $0x1;
	s10 =	sld [smem:$0x3FAB];
	_ =	sdelay $0x3  }
0x34: {  	[smem:$0x3FAB] =	sst s10  }
0x35: {  	s10 =	sld [smem:$0x3FAA];
	_ =	sdelay $0x3  }
0x36: {  	p1 =	seq.s32 s10, $0x1;
	s10 =	sld [smem:$0x3FAB];
	_ =	sdelay $0x3  }
0x37: {  	[smem:$0x3FAB] =	sst s10  }
0x38: {  	s10 =	sld [smem:$0x3FAC]  }
0x39: {  	_ = 	snop;
	(pc) =	sbr.ind lr, $3  }
0x3a: {  	_ = 	snop  }
0x3b: {  	_ = 	snop  }
0x3c: {  	p2 =	seq.s32 s10, $0x1;
	s10 =	sld [smem:$0x3FAB]  }
0x3d: {  	_ =	shalt  }
0x3e: {  	_ =	shalt  }
0x3f: {  	_ =	shalt  }
0x40: {  	_ =	shalt  }
0x41: {  	_ =	shalt  }
0x42: {  	_ =	shalt  }
0x43: {  	_ =	shalt  }
0x44: {  	_ =	shalt  }
0x45: {  	_ =	shalt  }
0x46: {  	_ =	shalt  }
0x47: {  	_ =	shalt  }
0x48: {  	_ =	shalt  }
0x49: {  	_ =	shalt  }
0x4a: {  	_ =	shalt  }
0x4b: {  	_ =	shalt  }
0x4c: {  	_ =	shalt  }
0x4d: {  	_ =	shalt  }
0x4e: {  	_ =	shalt  }
0x4f: {  	_ =	shalt  }
0x50: {  	_ =	shalt  }
0x51: {  	_ =	shalt  }
0x52: {  	_ =	shalt  }
0x53: {  	_ =	shalt  }
0x54: {  	_ =	shalt  }
0x55: {  	_ =	shalt  }
0x56: {  	_ =	shalt  }
0x57: {  	_ =	shalt  }
0x58: {  	_ =	shalt  }
0x59: {  	_ =	shalt  }
0x5a: {  	_ =	shalt  }
0x5b: {  	_ =	shalt  }
0x5c: {  	_ =	shalt  }
0x5d: {  	_ =	shalt  }
0x5e: {  	_ =	shalt  }
0x5f: {  	_ =	shalt  }
0x60: {  	_ =	shalt  }
0x61: {  	_ =	shalt  }
0x62: {  	_ =	shalt  }
0x63: {  	_ =	shalt  }
0x64: {  	_ =	shalt  }
0x65: {  	_ =	shalt  }
0x66: {  	_ =	shalt  }
0x67: {  	_ =	shalt  }
0x68: {  	_ =	shalt  }
0x69: {  	_ =	shalt  }
0x6a: {  	_ =	shalt  }
0x6b: {  	_ =	shalt  }
0x6c: {  	_ =	shalt  }
0x6d: {  	_ =	shalt  }
0x6e: {  	_ =	shalt  }
0x6f: {  	_ =	shalt  }
0x70: {  	_ =	shalt  }
0x71: {  	_ =	shalt  }
0x72: {  	_ =	shalt  }
0x73: {  	_ =	shalt  }
0x74: {  	_ =	shalt  }
0x75: {  	_ =	shalt  }
0x76: {  	_ =	shalt  }
0x77: {  	_ =	shalt  }
0x78: {  	_ =	shalt  }
0x79: {  	_ =	shalt  }
0x7a: {  	_ =	shalt  }
0x7b: {  	_ =	shalt  }
0x7c: {  	_ =	shalt  }
0x7d: {  	_ =	shalt  }
0x7e: {  	_ =	shalt  }
0x7f: {  	_ =	shalt  }
0x80: {  	_ =	shalt  }
0x81: {  	_ =	shalt  }
0x82: {  	_ =	shalt  }
0x83: {  	_ =	shalt  }
0x84: {  	_ =	shalt  }
0x85: {  	_ =	shalt  }
0x86: {  	_ =	shalt  }
0x87: {  	_ =	shalt  }
.Lfunc_end0:
.L_simem_size_0:
called_computation_lowered:
.L_overlay_start_0:
0x88: {  	s2 =	sld [smem:$0x3FD9]  }
0x89: {  	s3 =	sld [smem:$0x3FFE];
	_ =	sdelay $0x1  }
0x8a: {  	s1 =	srdreg.scid  }
0x8b: {  	s0 =	sand.u32 $0x1, s1  }
0x8c: {  	s17 =	sshll.u32 s0, $0xA;
	s2 =	sadd.s32 s3, s2  }
0x8d: {  	s2 =	sadd.s32 s2, s17  }
0x8e: {  	[smem:$0x3FB7] =	sst s2  }
0x8f: {  	_ = 	snop  }
0x90: {  	s2 =	sld [smem:$0x3FC8]  }
0x91: {  	s18 =	sld [smem:$0x3FD0];
	(tm) =	ssettm $0x1  }
0x92: {  	s4 =	sld [smem:$0x3FFB];
	_ =	sdelay $0x3  }
0x93: {  	_ =	strace s4  }
0x94: {  	s4 =	sld [smem:$0x3FFC];
	_ =	sdelay $0x3  }
0x95: {  	_ =	strace s4  }
0x96: {  	s4 =	sld [smem:$0x3FFD];
	_ =	sdelay $0x3  }
0x97: {  	_ =	strace s4  }
0x98: {  	_ =	strace $0x8FFFFFFF  }
0x99: {  	s19 =	sld [smem:$0x3FDB];
	_ =	sdelay $0x1  }
0x9a: {  	s5 =	simm.s32 $_scs_section_size  }
0x9b: {  	s6 =	simm.s32 $_size__tile_overlayer_lowered;
	s7 =	simm.s32 $_tile_overlayer_lowered  }
0x9c: {  	s22 =	simm.s32 $0x1BFF;
	s21 =	sshll.u32 s7, $0x1;
	s4 =	sadd.s32 s5, s19  }
0x9d: {  	s8 =	simm.s32 $0x0;
	s20 =	sshll.u32 s6, $0x1;
	s6 =	sadd.s32 s21, s4  }
0x9e: {  	[timem:s8], [sflag:s22] =	dma.local [hbm:s6], s20  }
0x9f: {  	_ =	swait.ge [sflag:s22], s20  }
0xa0: {  	s5 =	ssub.s32 $0x0, s20;
	[sflag:s22] =	ssyncset.done $0x0  }
0xa1: {  	[sflag:s22] =	ssyncadd.s32 s5;
	_ =	sdelay $0x1  }
0xa2: {  	s23 =	simm.s32 $0x1B8B  }
0xa3: {  	_ =	swait.ge [sflag:s23], $0x1  }
0xa4: {  	[sflag:s23] =	ssyncset.done $0x0  }
0xa5: {  	s25 =	simm.s32 $0x1B8E;
	s24 =	sld [smem:$0x3FFE];
	[sflag:s23] =	ssyncadd.s32 $0xFFFFFFFF  }
0xa6: {  	s26 =	simm.s32 $execute0_lowered;
	[smem:$0x3FD2] =	sst s25  }
0xa7: {  	s6 =	sshll.u32 s26, $0x1;
	_ =	strace $0x80000046;
	[dreg:$0x1] =	wrdreg $0xFFFFFFFF  }
0xa8: {  	s28 =	simm.s32 $_size_execute0_lowered;
	s4 =	sadd.s32 s4, s6;
	[dreg:$0x0] =	wrdreg $0x0  }
0xa9: {  	s6 =	sshll.u32 s28, $0x1;
	[dreg:$0x2] =	wrdreg s4  }
0xaa: {  	[dreg:$0x3] =	wrdreg s6  }
0xab: {  	[dreg:$0x4] =	wrdreg $0xC0  }
0xac: {  	_ =	task [dreg:s8], $0x5FFFF  }
0xad: {  	[dreg:$0x1] =	wrdreg $0xFFFFFFFF  }
0xae: {  	[dreg:$0x0] =	wrdreg $0x60  }
0xaf: {  	[dreg:$0x2] =	wrdreg s2  }
0xb0: {  	[dreg:$0x3] =	wrdreg s24  }
0xb1: {  	[dreg:$0x4] =	wrdreg s18  }
0xb2: {  	[dreg:$0x5] =	wrdreg $0x9  }
0xb3: {  	_ =	task.clear_ibuf [dreg:s8], $0x6FFFF;
	_ =	strace $0x90000046  }
0xb4: {  	s29 =	simm.s32 $0x9;
	_ =	strace $0x80000048  }
0xb5: {  	_ =	swait.ge [sflag:s29], $0x1  }
0xb6: {  	[sflag:s29] =	ssyncadd.s32 $0xFFFFFFFF  }
0xb7: {  	_ =	strace $0x90000048  }
0xb8: {  	_ =	sfence  }
0xb9: {  	s30 =	sld [smem:$0x0];
	_ =	sdelay $0x2  }
0xba: {  	s31 =	sshll.u32 s1, $0xD;
	s1 =	sshrl.u32 s1, $0x2  }
0xbb: {  	s3 =	sand.u32 $0x4000, s31;
	s1 =	sadd.s32 s1, s30  }
0xbc: {  	s0 =	sor.u32 s3, s0;
	s1 =	sshll.u32 s1, $0x11  }
0xbd: {  	s0 =	sor.u32 s1, s0  }
0xbe: {  	s0 =	sadd.s32 $0x8F2B, s0  }
0xbf: {  	[sflag:s0] =	ssyncadd.remote.s32 $0x1  }
0xc0: {  	_ =	sfence.sel $0xFFFF  }
0xc1: {  	[dreg:$0x0] =	wrdreg $0xFFFFFFFF;
	(pc) =	sbr.abs _section_cstart, $3  }
0xc2: {  	[dreg:$0x1] =	wrdreg $0xFFFFFFFF  }
0xc3: {  	_ =	task.clear_ibuf [dreg:s8], $0x2FFFF;
	_ =	strace $0x9FFFFFFF  }
0xc4: {  	(tm) =	ssettm $0x7FFFFFFF  }
0xc5: {  	_ =	shalt  }
tec
execute0_lowered:
.L_overlay_start_1:
0x0: {  	(tag) =	ssettag $0x1  }
0x1: {  	s1 =	stileid.u32  }
0x2: {  	p0 =	sgt.u32 s1, $0x3  }
.Ltmp0:
0x3: {  	s2 =	rddreg [dreg:$0x0];
	(pc) =	sbr.rel @p0 .LBB2_4-.Ltmp0, $4  }
0x4: {  	s4 =	rddreg [dreg:$0x1]  }
0x5: {  	s22 =	rddreg [dreg:$0x2];
	s3 =	simm.s32 $0x0  }
0x6: {  	[smem:$0x7FF] =	sst s3  }
0x7: {  	s0 =	rddreg [dreg:$0x3];
	_ =	strace $0x80000047  }
0x8: {  	s5 =	srdreg.scid  }
0x9: {  	s30 =	sshll.u32 s1, $0x1;
	s20 =	sand.u32 $0x1, s5  }
0xa: {  	s4 =	sadd.s32 $0x2000, s4;
	s23 =	sor.u32 s20, s30  }
0xb: {  	s5 =	sadd.s32 s4, s23;
	s4 =	simm.s32 $0x2  }
0xc: {  	[tilespmem:s3], [sflag:$0x2] =	stream.linear.gather [hbm4b:s5+s3], $0x8, $0x38;
	[tilespmem:$0x4080] =	vst v63  }
0xd: {  	_ =	swait.ge [sflag:s4], $0x8  }
0xe: {  	[sflag:s4] =	ssyncset.done $0x0  }
0xf: {  	[sflag:s4] =	ssyncadd.s32 $0xFFFFFFF8  }
0x10: {  	v0 =	vld.msk [tilespmem:$0x0], $0xff;
	_ =	sdelay $0x4  }
0x11: {  	v1 =	vshll.u32 v0, $0x4  }
0x12: {  	v2 =	vlaneseq.u32;
	v3 =	vand.u32 $0x7, v0;
	v1 =	vand.u32 $0xFFFFFF80, v1  }
0x13: {  	v0 =	vand.u32 $0x7, v2;
	v2 =	vshrl.u32 v2, $0x3;
	v3 =	vor.u32 v3, v1  }
0x14: {  	v1 =	vmul.u32 $0x8, v2;
	v2 =	vperm.xlane v3, v0;
	_ =	sdelay $0x1  }
0x15: {  	v2 =	vadd.s32 v1, v2;
	_ =	sdelay $0x3  }
0x16: {  	vm0 =	vmmov $0xffff;
	s6 =	simm.s32 $0x80  }
0x17: {  	[tilespmem:s6], [sflag:$0x1] =	stream.indirect_vreg.gather [hbm4b:s2+s3], $0x80, v2, vm0, $0xb8;
	[tilespmem:$0x4080] =	vst v63  }
0x18: {  	s7 =	sadd.s32 $0x100, s2;
	s8 =	simm.s32 $0x880  }
0x19: {  	[tilespmem:s8], [sflag:$0x1] =	stream.indirect_vreg.gather [hbm4b:s7+s3], $0x80, v2, vm0, $0xb8;
	[tilespmem:$0x4080] =	vst v63  }
0x1a: {  	s9 =	sadd.s32 $0x200, s2;
	s10 =	simm.s32 $0x1080  }
0x1b: {  	[tilespmem:s10], [sflag:$0x1] =	stream.indirect_vreg.gather [hbm4b:s9+s3], $0x80, v2, vm0, $0xb8;
	[tilespmem:$0x4080] =	vst v63  }
0x1c: {  	s11 =	sadd.s32 $0x300, s2;
	s12 =	simm.s32 $0x1880;
	s13 =	sadd.s32 $0x400, s2  }
0x1d: {  	[tilespmem:s12], [sflag:$0x1] =	stream.indirect_vreg.gather [hbm4b:s11+s3], $0x80, v2, vm0, $0xb8;
	[tilespmem:$0x4080] =	vst v63  }
0x1e: {  	s14 =	simm.s32 $0x2080;
	s15 =	sadd.s32 $0x500, s2;
	s24 =	ssub.s32 $0x2, s20  }
0x1f: {  	[tilespmem:s14], [sflag:$0x1] =	stream.indirect_vreg.gather [hbm4b:s13+s3], $0x80, v2, vm0, $0xb8;
	[tilespmem:$0x4080] =	vst v63  }
0x20: {  	s16 =	simm.s32 $0x2880;
	s17 =	sadd.s32 $0x600, s2;
	s25 =	sshrl.u32 s24, $0x1  }
0x21: {  	[tilespmem:s16], [sflag:$0x1] =	stream.indirect_vreg.gather [hbm4b:s15+s3], $0x80, v2, vm0, $0xb8;
	[tilespmem:$0x4080] =	vst v63  }
0x22: {  	s18 =	sadd.s32 $0x700, s2;
	s19 =	simm.s32 $0x3080;
	s24 =	ssub.s32 s24, s25  }
0x23: {  	[tilespmem:s19], [sflag:$0x1] =	stream.indirect_vreg.gather [hbm4b:s17+s3], $0x80, v2, vm0, $0xb8;
	[tilespmem:$0x4080] =	vst v63  }
0x24: {  	s21 =	simm.s32 $0x1;
	s20 =	simm.s32 $0x3880;
	s31 =	smax.u32 s24, $0x1  }
0x25: {  	[tilespmem:s20], [sflag:$0x1] =	stream.indirect_vreg.gather [hbm4b:s18+s3], $0x80, v2, vm0, $0xb8;
	[tilespmem:$0x4080] =	vst v63  }
0x26: {  	p0 =	sne.s32 s31, $0x1;
	_ =	swait.ge [sflag:s21], $0x4000  }
.Ltmp1:
0x27: {  	s23 =	sshll.u32 s23, $0xB;
	[sflag:s21] =	ssyncset.done $0x0;
	(pc) =	sbr.rel @!p0 .LBB2_3-.Ltmp1, $4  }
0x28: {  	s22 =	sadd.s32 s22, s23;
	[sflag:s21] =	ssyncadd.s32 $0xFFFFC000  }
0x29: {  	[hbm4b:s22+s3] =	stream.linear.scatter [tilespmem:s6], [sflag:$0x2], $0x4000, $0x38;
	[tilespmem:$0x4080] =	vst v63  }
0x2a: {  	_ =	swait.ge [sflag:s4], $0x4000  }
0x2b: {  	s23 =	sadd.s32 $0xFFFFFFFF, s31;
	[sflag:s4] =	ssyncset.done $0x0  }
.LBB2_2:
0x2c: {  	p0 =	sne.s32 s23, $0x1;
	s23 =	sadd.s32 $0xFFFFFFFF, s23;
	[sflag:s4] =	ssyncadd.s32 $0xFFFFC000  }
0x2d: {  	[tilespmem:s3], [sflag:$0x2] =	stream.linear.gather [hbm4b:s5+s3], $0x8, $0x38;
	[tilespmem:$0x4080] =	vst v63  }
0x2e: {  	_ =	swait.ge [sflag:s4], $0x8  }
0x2f: {  	[sflag:s4] =	ssyncset.done $0x0  }
0x30: {  	[sflag:s4] =	ssyncadd.s32 $0xFFFFFFF8  }
0x31: {  	v2 =	vld.msk [tilespmem:$0x0], $0xff;
	_ =	sdelay $0x4  }
0x32: {  	v3 =	vshll.u32 v2, $0x4  }
0x33: {  	v2 =	vand.u32 $0x7, v2;
	v3 =	vand.u32 $0xFFFFFF80, v3  }
0x34: {  	v2 =	vor.u32 v2, v3  }
0x35: {  	v2 =	vperm.xlane v2, v0;
	_ =	sdelay $0x1  }
0x36: {  	v2 =	vadd.s32 v1, v2;
	_ =	sdelay $0x4  }
0x37: {  	[tilespmem:s6], [sflag:$0x1] =	stream.indirect_vreg.gather [hbm4b:s2+s3], $0x80, v2, vm0, $0xb8;
	[tilespmem:$0x4080] =	vst v63  }
0x38: {  	_ = 	snop  }
0x39: {  	[tilespmem:s8], [sflag:$0x1] =	stream.indirect_vreg.gather [hbm4b:s7+s3], $0x80, v2, vm0, $0xb8;
	[tilespmem:$0x4080] =	vst v63  }
0x3a: {  	_ = 	snop  }
0x3b: {  	[tilespmem:s10], [sflag:$0x1] =	stream.indirect_vreg.gather [hbm4b:s9+s3], $0x80, v2, vm0, $0xb8;
	[tilespmem:$0x4080] =	vst v63  }
0x3c: {  	_ = 	snop  }
0x3d: {  	[tilespmem:s12], [sflag:$0x1] =	stream.indirect_vreg.gather [hbm4b:s11+s3], $0x80, v2, vm0, $0xb8;
	[tilespmem:$0x4080] =	vst v63  }
0x3e: {  	_ = 	snop  }
0x3f: {  	[tilespmem:s14], [sflag:$0x1] =	stream.indirect_vreg.gather [hbm4b:s13+s3], $0x80, v2, vm0, $0xb8;
	[tilespmem:$0x4080] =	vst v63  }
0x40: {  	_ = 	snop  }
0x41: {  	[tilespmem:s16], [sflag:$0x1] =	stream.indirect_vreg.gather [hbm4b:s15+s3], $0x80, v2, vm0, $0xb8;
	[tilespmem:$0x4080] =	vst v63  }
0x42: {  	_ = 	snop  }
0x43: {  	[tilespmem:s19], [sflag:$0x1] =	stream.indirect_vreg.gather [hbm4b:s17+s3], $0x80, v2, vm0, $0xb8;
	[tilespmem:$0x4080] =	vst v63  }
0x44: {  	_ = 	snop  }
0x45: {  	[tilespmem:s20], [sflag:$0x1] =	stream.indirect_vreg.gather [hbm4b:s18+s3], $0x80, v2, vm0, $0xb8;
	[tilespmem:$0x4080] =	vst v63  }
0x46: {  	_ =	swait.ge [sflag:s21], $0x4000  }
.Ltmp2:
0x47: {  	[sflag:s21] =	ssyncset.done $0x0;
	(pc) =	sbr.rel @p0 .LBB2_2-.Ltmp2, $4  }
0x48: {  	[sflag:s21] =	ssyncadd.s32 $0xFFFFC000  }
0x49: {  	[hbm4b:s22+s3] =	stream.linear.scatter [tilespmem:s6], [sflag:$0x2], $0x4000, $0x38;
	[tilespmem:$0x4080] =	vst v63  }
0x4a: {  	_ =	swait.ge [sflag:s4], $0x4000  }
0x4b: {  	[sflag:s4] =	ssyncset.done $0x0  }
.LBB2_3:
0x4c: {  	[sflag:s4] =	ssyncadd.s32 $0xFFFFC000  }
.LBB2_4:
0x4d: {  	_ =	sfence.sel $0x180000  }
0x4e: {  	[bflag:$0x0] =	sbarrier.arrive $0xFFFF  }
0x4f: {  	p0 =	sne.s32 s1, $0x0;
	_ =	strace $0x90000047  }
0x50: {  	s0 =	sadd.s32 @!p0 $0x100000, s0;
	[bflag:$0x2] =	sbarrier.arrive $0xFFFF  }
0x51: {  	[sflag:s0] =	ssyncadd.tile.s32 @!p0 $0x1;
	_ =	shalt  }
.Lfunc_end2:
_tile_overlayer_lowered:
.L_overlay_start_2:
0x52: {  	(tag) =	ssettag $0x2  }
0x53: {  	s0 =	rddreg [dreg:$0x0];
	s2 =	stileid.u32  }
0x54: {  	s1 =	rddreg [dreg:$0x1];
	p0 =	sne.s32 s2, $0x0  }
0x55: {  	s3 =	rddreg [dreg:$0x2];
	[bflag:$0x3] =	sbarrier.arrive $0xFFFF;
	s2 =	simm.s32 @!p0 $0x1C02  }
0x56: {  	[timem:s3], [sflag:s2] =	dma.local @!p0 [hbm:s0], s1  }
0x57: {  	s0 =	simm.s32 @!p0 $0x2  }
0x58: {  	_ =	swait.ge @!p0 [sflag:s0], s1  }
0x59: {  	s1 =	ssub.s32 @!p0 $0x0, s1;
	[sflag:s0] =	ssyncset.done @!p0 $0x0  }
0x5a: {  	[sflag:s0] =	ssyncadd.s32 @!p0 s1  }
0x5b: {  	[bflag:$0x3] =	sbarrier.arrive $0xFFFF  }
0x5c: {  	_ =	shalt  }

</sc_bundles>
